<compile_context>
chip_gen: v7x
topology: tpu7x:2x2x1
jax: 0.10.2.dev20260603
libtpu: 0.0.44.dev20260713+nightly
codegen_flags: <defaults>
</compile_context>

<pallas_src>
import functools

import jax
import jax.numpy as jnp
from jax import lax
from jax.experimental import pallas as pl
from jax.experimental.pallas import tpu as pltpu
from jax.experimental.pallas import tpu_sc as plsc

N_NODES = 10000
D = 128
N_EDGES = 320000

NC, NS = 2, 16
NW = NC * NS
CHUNK = 128
CHUNKS = 79
EPT = CHUNK * CHUNKS
E_PAD = EPT * NW
ECHUNK = 96
ECHUNKS = 105
E_PAD_E = NW * ECHUNK * ECHUNKS
CHUNKS_C0 = 153
CHUNKS_C1 = 2 * ECHUNKS - CHUNKS_C0
NROWB = 3
NIDXB = 6
GAHEAD = NROWB - 1
NPAD = 10240
ROWS_PER_TILE = NPAD // NS
DUMMY = N_NODES
DEGW = 128

_mesh = plsc.VectorSubcoreMesh(core_axis_name="c", subcore_axis_name="s")



@functools.partial(
    pl.kernel,
    out_type=jax.ShapeDtypeStruct((NC, NPAD, DEGW), jnp.float32),
    mesh=_mesh,
    scratch_types=[
        pltpu.VMEM((CHUNKS, CHUNK), jnp.int32),
        pltpu.VMEM((CHUNK, DEGW), jnp.float32),
        pltpu.VMEM_SHARED((NPAD, DEGW), jnp.float32),
    ],
)
def _sc_degree(dst_hbm, ones_hbm, zeros_hbm, degp_hbm, dst_v, ones_v, dacc):
    cid = lax.axis_index("c")
    sid = lax.axis_index("s")
    wid = cid * NS + sid
    sl = pl.ds(sid * ROWS_PER_TILE, ROWS_PER_TILE)
    pltpu.sync_copy(dst_hbm.at[wid], dst_v)
    pltpu.sync_copy(ones_hbm, ones_v)
    pltpu.sync_copy(zeros_hbm.at[sl], dacc.at[sl])
    plsc.subcore_barrier()

    def body(j, carry):
        pltpu.sync_copy(ones_v, dacc.at[dst_v.at[j]], add=True)
        return carry

    lax.fori_loop(0, CHUNKS, body, 0)
    plsc.subcore_barrier()
    pltpu.sync_copy(dacc.at[sl], degp_hbm.at[cid, sl])


@functools.partial(
    pl.kernel,
    out_type=jax.ShapeDtypeStruct((NC, NPAD, D), jnp.float32),
    mesh=_mesh,
    scratch_types=[
        pltpu.VMEM((NIDXB, 2, ECHUNK), jnp.int32),
        pltpu.VMEM((NROWB, ECHUNK, D), jnp.float32),
        pltpu.VMEM_SHARED((NPAD, D), jnp.float32),
        pltpu.SemaphoreType.DMA((NIDXB,)),
        pltpu.SemaphoreType.DMA((NROWB,)),
    ],
)
def _sc_edge_scatter(y_hbm, idx_hbm, zeros_hbm, zp_hbm,
                     idx_v, rows_v, acc, isem, gsem):
    cid = lax.axis_index("c")
    sid = lax.axis_index("s")
    wid = cid * NS + sid
    nch = jnp.where(cid == 0, CHUNKS_C0, CHUNKS_C1)
    sl = pl.ds(sid * ROWS_PER_TILE, ROWS_PER_TILE)
    pltpu.sync_copy(zeros_hbm.at[sl], acc.at[sl])
    plsc.subcore_barrier()

    for b in range(GAHEAD):
        pltpu.sync_copy(idx_hbm.at[wid, b], idx_v.at[b])
        pltpu.async_copy(y_hbm.at[idx_v.at[b, 0]], rows_v.at[b], gsem.at[b])
    for b in range(GAHEAD, NIDXB):
        pltpu.async_copy(idx_hbm.at[wid, b], idx_v.at[b], isem.at[b])

    def body(j, carry):
        cb = lax.rem(j, NROWB)
        ib = lax.rem(j, NIDXB)

        pltpu.make_async_copy(y_hbm.at[idx_v.at[ib, 0]], rows_v.at[cb],
                              gsem.at[cb]).wait()
        pltpu.sync_copy(rows_v.at[cb], acc.at[idx_v.at[ib, 1]], add=True)

        @pl.when(j + NIDXB < nch)
        def _():
            pltpu.async_copy(idx_hbm.at[wid, j + NIDXB], idx_v.at[ib],
                             isem.at[ib])

        @pl.when(j + GAHEAD < nch)
        def _():
            ib2 = lax.rem(j + GAHEAD, NIDXB)
            pltpu.make_async_copy(idx_hbm.at[wid, j + GAHEAD], idx_v.at[ib2],
                                  isem.at[ib2]).wait()
            pltpu.async_copy(y_hbm.at[idx_v.at[ib2, 0]],
                             rows_v.at[lax.rem(j + GAHEAD, NROWB)],
                             gsem.at[lax.rem(j + GAHEAD, NROWB)])
        return carry

    lax.fori_loop(0, nch, body, 0)
    plsc.subcore_barrier()
    pltpu.sync_copy(acc.at[sl], zp_hbm.at[cid, sl])



BLK = 1024
GRID = NPAD // BLK


def _dinv_from_degp(degp):
    deg = degp[0, :, :1] + degp[1, :, :1] + 1.0
    return lax.rsqrt(deg)


def _tc_scale_matmul_body(x_ref, w_ref, degp_ref, y_ref):
    dinv = _dinv_from_degp(degp_ref[...])
    y_ref[...] = dinv * jnp.dot(x_ref[...], w_ref[...],
                                preferred_element_type=jnp.float32)


def _tc_mid_body(zp_ref, y_ref, degp_ref, b_ref, w_ref, y2_ref):
    dinv = _dinv_from_degp(degp_ref[...])
    pre = dinv * (zp_ref[0] + zp_ref[1] + y_ref[...]) + b_ref[...]
    h = jnp.maximum(pre, 0.0)
    y2_ref[...] = dinv * jnp.dot(h, w_ref[...],
                                 preferred_element_type=jnp.float32)


def _tc_final_body(zp_ref, y_ref, degp_ref, b_ref, out_ref):
    dinv = _dinv_from_degp(degp_ref[...])
    out_ref[...] = dinv * (zp_ref[0] + zp_ref[1] + y_ref[...]) + b_ref[...]


_row_spec = pl.BlockSpec((BLK, D), lambda i: (i, 0))
_w_spec = pl.BlockSpec((D, D), lambda i: (0, 0))
_degp_spec = pl.BlockSpec((NC, BLK, DEGW), lambda i: (0, i, 0))
_zp_spec = pl.BlockSpec((NC, BLK, D), lambda i: (0, i, 0))
_b_spec = pl.BlockSpec((1, D), lambda i: (0, 0))
_f32_out = jax.ShapeDtypeStruct((NPAD, D), jnp.float32)

_tc_scale_matmul = pl.pallas_call(
    _tc_scale_matmul_body,
    grid=(GRID,),
    in_specs=[_row_spec, _w_spec, _degp_spec],
    out_specs=_row_spec,
    out_shape=_f32_out,
)

_tc_mid = pl.pallas_call(
    _tc_mid_body,
    grid=(GRID,),
    in_specs=[_zp_spec, _row_spec, _degp_spec, _b_spec, _w_spec],
    out_specs=_row_spec,
    out_shape=_f32_out,
)

_tc_final = pl.pallas_call(
    _tc_final_body,
    grid=(GRID,),
    in_specs=[_zp_spec, _row_spec, _degp_spec, _b_spec],
    out_specs=_row_spec,
    out_shape=_f32_out,
)


def kernel(x, edge_index, W1, b1, W2, b2):
    src = edge_index[0].astype(jnp.int32)
    dst = edge_index[1].astype(jnp.int32)
    pad = E_PAD - N_EDGES
    dst_t = jnp.pad(dst, (0, pad), constant_values=DUMMY).reshape(
        NW, CHUNKS, CHUNK)

    pade = E_PAD_E - N_EDGES
    src_e = jnp.pad(src, (0, pade))
    dst_e = jnp.pad(dst, (0, pade), constant_values=DUMMY)
    n0 = NS * CHUNKS_C0 * ECHUNK
    padc = CHUNKS_C0 - CHUNKS_C1

    def _split(a, fill):
        a0 = a[:n0].reshape(NS, CHUNKS_C0, ECHUNK)
        a1 = jnp.pad(a[n0:].reshape(NS, CHUNKS_C1, ECHUNK),
                     ((0, 0), (0, padc), (0, 0)), constant_values=fill)
        return jnp.concatenate([a0, a1], axis=0)

    idx_t = jnp.stack([_split(src_e, 0), _split(dst_e, DUMMY)], axis=2)

    x_pad = jnp.pad(x, ((0, NPAD - N_NODES), (0, 0)))
    b1r = b1.reshape(1, D)
    b2r = b2.reshape(1, D)

    ones_rows = jnp.ones((CHUNK, DEGW), jnp.float32)
    zeros_rows = jnp.zeros((NPAD, D), jnp.float32)

    degp = _sc_degree(dst_t, ones_rows, zeros_rows)
    y1 = _tc_scale_matmul(x_pad, W1, degp)
    z1p = _sc_edge_scatter(y1, idx_t, zeros_rows)
    y2 = _tc_mid(z1p, y1, degp, b1r, W2)
    z2p = _sc_edge_scatter(y2, idx_t, zeros_rows)
    out = _tc_final(z2p, y2, degp, b2r)
    return out[:N_NODES]

# --- scband reference (transcript-rebuilt; emitter-appended) ---
"""Pipeline reference for scband-simple-gcn-30039001268297 (READ-ONLY COPY).

The authoritative reference and input builder live on the scoring server;
editing this copy changes nothing except your own understanding.
"""

import jax, jax.numpy as jnp
import numpy as np

N_NODES = 10000
D_IN = 128
D_HID = 128
D_OUT = 128
N_EDGES = 320000


def setup_inputs(seed: int = 0) -> dict:
    key = jax.random.key(seed)
    k1, k2, k3, k4, k5, k6 = jax.random.split(key, 6)
    x = jax.random.normal(k1, (N_NODES, D_IN), dtype=jnp.float32)
    edge_index = jax.random.randint(k2, (2, N_EDGES), 0, N_NODES, dtype=jnp.int64)
    # GCNConv weights (glorot-style init) and biases
    W1 = jax.random.normal(k3, (D_IN, D_HID), dtype=jnp.float32) * (1.0 / np.sqrt(D_IN))
    b1 = jnp.zeros((D_HID,), dtype=jnp.float32)
    W2 = jax.random.normal(k4, (D_HID, D_OUT), dtype=jnp.float32) * (1.0 / np.sqrt(D_HID))
    b2 = jnp.zeros((D_OUT,), dtype=jnp.float32)
    return {"x": x, "edge_index": edge_index, "W1": W1, "b1": b1, "W2": W2, "b2": b2}


def _gcn_conv(x, src, dst, W, b, num_nodes):
    # symmetric normalization with self-loops already included in src/dst
    ones = jnp.ones(src.shape[0], dtype=x.dtype)
    deg = jnp.zeros((num_nodes,), dtype=x.dtype).at[dst].add(ones)
    deg_inv_sqrt = jnp.where(deg > 0, 1.0 / jnp.sqrt(deg), 0.0)
    norm = deg_inv_sqrt[src] * deg_inv_sqrt[dst]
    xw = x @ W
    msg = xw[src] * norm[:, None]
    out = jnp.zeros((num_nodes, W.shape[1]), dtype=xw.dtype).at[dst].add(msg)
    return out + b


def reference(x, edge_index, W1, b1, W2, b2):
    num_nodes = x.shape[0]
    loop = jnp.arange(num_nodes, dtype=edge_index.dtype)
    src = jnp.concatenate([edge_index[0], loop])
    dst = jnp.concatenate([edge_index[1], loop])
    h = _gcn_conv(x, src, dst, W1, b1, num_nodes)
    h = jax.nn.relu(h)
    out = _gcn_conv(h, src, dst, W2, b2, num_nodes)
    return out

if __name__ == "__main__":
    import jax
    _d = setup_inputs()
    print(jax.jit(kernel)(*tuple(_d.values())))

</pallas_src>

<mosaic_0001>
#map = affine_map<(d0, d1) -> (0, 0, 0)>
#map1 = affine_map<(d0, d1) -> (0, 0)>
module attributes {stable_mosaic.version = 14 : i64} {
  func.func @_sc_degree(%arg0: i32, %arg1: i32, %arg2: memref<32x79x128xi32, #tpu.memory_space<hbm>>, %arg3: memref<128x128xf32, #tpu.memory_space<hbm>>, %arg4: memref<10240x128xf32, #tpu.memory_space<hbm>>, %arg5: memref<2x10240x128xf32, #tpu.memory_space<hbm>>, %arg6: memref<79x128xi32, #tpu.memory_space<vmem>>, %arg7: memref<128x128xf32, #tpu.memory_space<vmem>>, %arg8: memref<10240x128xf32, #tpu.memory_space<vmem_shared>>) attributes {dimension_semantics = [#tpu.dimension_semantics<core_parallel>, #tpu.dimension_semantics<subcore_parallel>], iteration_bounds = array<i64: 2, 16>, scalar_prefetch = 0 : i64, scratch_operands = 3 : i64, tpu.core_type = #tpu.core_type<sc_vector_subcore>, window_params = [{transform_indices = #map}, {transform_indices = #map1}, {transform_indices = #map1}, {transform_indices = #map}]} {
    %mul3A = arith.constant 16 : i32
    %mul3A_0 = arith.muli %arg0, %mul3A : i32
    %add3A = arith.addi %mul3A_0, %arg1 : i32
    %mul3A_1 = arith.constant 640 : i32
    %mul3A_2 = arith.muli %arg1, %mul3A_1 : i32
    "tpu.region"() ({
      %run_scoped3A = tpu.sem_alloc : memref<!tpu.dma_semaphore, #tpu.memory_space<semaphore_mem>>
      %dma_start3A = arith.constant 0 : i32
      %dma_start3A_9 = arith.constant 0 : i32
      %dma_start3A_10 = tpu.memref_slice %arg2[%add3A, %dma_start3A, %dma_start3A_9] : memref<32x79x128xi32, #tpu.memory_space<hbm>> -> memref<1x79x128xi32, #tpu.memory_space<hbm>>
      %dma_start3A_11 = tpu.memref_squeeze %dma_start3A_10 : memref<1x79x128xi32, #tpu.memory_space<hbm>> -> memref<79x128xi32, #tpu.memory_space<hbm>>
      %dma_start3A_12 = arith.constant 0 : i32
      %dma_start3A_13 = arith.constant 0 : i32
      %dma_start3A_14 = tpu.memref_slice %arg2[%add3A, %dma_start3A_12, %dma_start3A_13] : memref<32x79x128xi32, #tpu.memory_space<hbm>> -> memref<1x79x128xi32, #tpu.memory_space<hbm>>
      %dma_start3A_15 = tpu.memref_squeeze %dma_start3A_14 : memref<1x79x128xi32, #tpu.memory_space<hbm>> -> memref<79x128xi32, #tpu.memory_space<hbm>>
      tpu.enqueue_dma source(%dma_start3A_15 : memref<79x128xi32, #tpu.memory_space<hbm>>) target(%arg6 : memref<79x128xi32, #tpu.memory_space<vmem>>) target_semaphore(%run_scoped3A : memref<!tpu.dma_semaphore, #tpu.memory_space<semaphore_mem>>)
      %dma_wait3A = arith.constant 0 : i32
      %dma_wait3A_16 = arith.constant 0 : i32
      %dma_wait3A_17 = tpu.memref_slice %arg2[%add3A, %dma_wait3A, %dma_wait3A_16] : memref<32x79x128xi32, #tpu.memory_space<hbm>> -> memref<1x79x128xi32, #tpu.memory_space<hbm>>
      %dma_wait3A_18 = tpu.memref_squeeze %dma_wait3A_17 : memref<1x79x128xi32, #tpu.memory_space<hbm>> -> memref<79x128xi32, #tpu.memory_space<hbm>>
      %dma_wait3A_19 = arith.constant 0 : i32
      %dma_wait3A_20 = arith.constant 0 : i32
      %dma_wait3A_21 = tpu.memref_slice %arg2[%add3A, %dma_wait3A_19, %dma_wait3A_20] : memref<32x79x128xi32, #tpu.memory_space<hbm>> -> memref<1x79x128xi32, #tpu.memory_space<hbm>>
      %dma_wait3A_22 = tpu.memref_squeeze %dma_wait3A_21 : memref<1x79x128xi32, #tpu.memory_space<hbm>> -> memref<79x128xi32, #tpu.memory_space<hbm>>
      tpu.wait_dma2 semaphore(%run_scoped3A : memref<!tpu.dma_semaphore, #tpu.memory_space<semaphore_mem>>) src(%dma_wait3A_22 : memref<79x128xi32, #tpu.memory_space<hbm>>) dst(%arg6 : memref<79x128xi32, #tpu.memory_space<vmem>>)
      tpu.yield
    }) : () -> ()
    "tpu.region"() ({
      %run_scoped3A = tpu.sem_alloc : memref<!tpu.dma_semaphore, #tpu.memory_space<semaphore_mem>>
      tpu.enqueue_dma source(%arg3 : memref<128x128xf32, #tpu.memory_space<hbm>>) target(%arg7 : memref<128x128xf32, #tpu.memory_space<vmem>>) target_semaphore(%run_scoped3A : memref<!tpu.dma_semaphore, #tpu.memory_space<semaphore_mem>>)
      tpu.wait_dma2 semaphore(%run_scoped3A : memref<!tpu.dma_semaphore, #tpu.memory_space<semaphore_mem>>) src(%arg3 : memref<128x128xf32, #tpu.memory_space<hbm>>) dst(%arg7 : memref<128x128xf32, #tpu.memory_space<vmem>>)
      tpu.yield
    }) : () -> ()
    "tpu.region"() ({
      %run_scoped3A = tpu.sem_alloc : memref<!tpu.dma_semaphore, #tpu.memory_space<semaphore_mem>>
      %dma_start3A = arith.constant 0 : i32
      %dma_start3A_9 = tpu.memref_slice %arg8[%mul3A_2, %dma_start3A] : memref<10240x128xf32, #tpu.memory_space<vmem_shared>> -> memref<640x128xf32, #tpu.memory_space<vmem_shared>>
      %dma_start3A_10 = arith.constant 0 : i32
      %dma_start3A_11 = tpu.memref_slice %arg4[%mul3A_2, %dma_start3A_10] : memref<10240x128xf32, #tpu.memory_space<hbm>> -> memref<640x128xf32, #tpu.memory_space<hbm>>
      tpu.enqueue_dma source(%dma_start3A_11 : memref<640x128xf32, #tpu.memory_space<hbm>>) target(%dma_start3A_9 : memref<640x128xf32, #tpu.memory_space<vmem_shared>>) target_semaphore(%run_scoped3A : memref<!tpu.dma_semaphore, #tpu.memory_space<semaphore_mem>>)
      %dma_wait3A = arith.constant 0 : i32
      %dma_wait3A_12 = tpu.memref_slice %arg8[%mul3A_2, %dma_wait3A] : memref<10240x128xf32, #tpu.memory_space<vmem_shared>> -> memref<640x128xf32, #tpu.memory_space<vmem_shared>>
      %dma_wait3A_13 = arith.constant 0 : i32
      %dma_wait3A_14 = tpu.memref_slice %arg4[%mul3A_2, %dma_wait3A_13] : memref<10240x128xf32, #tpu.memory_space<hbm>> -> memref<640x128xf32, #tpu.memory_space<hbm>>
      tpu.wait_dma2 semaphore(%run_scoped3A : memref<!tpu.dma_semaphore, #tpu.memory_space<semaphore_mem>>) src(%dma_wait3A_14 : memref<640x128xf32, #tpu.memory_space<hbm>>) dst(%dma_wait3A_12 : memref<640x128xf32, #tpu.memory_space<vmem_shared>>)
      tpu.yield
    }) : () -> ()
    %barrier3A = arith.constant 0 : index
    tpu.barrier barrier_id(%barrier3A)
    %scan3A = arith.constant 0 : i32
    %scan3A_3 = arith.constant 0 : i32
    %scan3A_4 = arith.constant 79 : i32
    %scan3A_5 = arith.addi %scan3A_3, %scan3A_4 : i32
    %scan3A_6 = arith.constant 1 : i32
    scf.for %scan3A_9 = %scan3A_3 to %scan3A_5 step %scan3A_6  : i32 {
      "tpu.region"() ({
        %run_scoped3A = tpu.sem_alloc : memref<!tpu.dma_semaphore, #tpu.memory_space<semaphore_mem>>
        %dma_start3A = arith.constant 0 : i32
        %dma_start3A_10 = tpu.memref_slice %arg6[%scan3A_9, %dma_start3A] : memref<79x128xi32, #tpu.memory_space<vmem>> -> memref<1x128xi32, #tpu.memory_space<vmem>>
        %dma_start3A_11 = tpu.memref_squeeze %dma_start3A_10 : memref<1x128xi32, #tpu.memory_space<vmem>> -> memref<128xi32, #tpu.memory_space<vmem>>
        %dma_start3A_12 = arith.constant 0 : i32
        %dma_start3A_13 = arith.constant 0 : i32
        %dma_start3A_14 = tpu.memref_slice %arg8[%dma_start3A_12, %dma_start3A_13] : memref<10240x128xf32, #tpu.memory_space<vmem_shared>> -> memref<10240x128xf32, #tpu.memory_space<vmem_shared>>
        tpu.enqueue_indirect_dma source(%arg7 : memref<128x128xf32, #tpu.memory_space<vmem>>) target(%dma_start3A_14 : memref<10240x128xf32, #tpu.memory_space<vmem_shared>>) offsets(%dma_start3A_11 : memref<128xi32, #tpu.memory_space<vmem>>) semaphore(%run_scoped3A : memref<!tpu.dma_semaphore, #tpu.memory_space<semaphore_mem>>) {add = true}
        %dma_wait3A = arith.constant 0 : i32
        %dma_wait3A_15 = tpu.memref_slice %arg6[%scan3A_9, %dma_wait3A] : memref<79x128xi32, #tpu.memory_space<vmem>> -> memref<1x128xi32, #tpu.memory_space<vmem>>
        %dma_wait3A_16 = tpu.memref_squeeze %dma_wait3A_15 : memref<1x128xi32, #tpu.memory_space<vmem>> -> memref<128xi32, #tpu.memory_space<vmem>>
        %dma_wait3A_17 = arith.constant 0 : i32
        %dma_wait3A_18 = arith.constant 0 : i32
        %dma_wait3A_19 = tpu.memref_slice %arg8[%dma_wait3A_17, %dma_wait3A_18] : memref<10240x128xf32, #tpu.memory_space<vmem_shared>> -> memref<10240x128xf32, #tpu.memory_space<vmem_shared>>
        tpu.wait_indirect_dma semaphore(%run_scoped3A : memref<!tpu.dma_semaphore, #tpu.memory_space<semaphore_mem>>) src(%arg7 : memref<128x128xf32, #tpu.memory_space<vmem>>) dst(%dma_wait3A_19 : memref<10240x128xf32, #tpu.memory_space<vmem_shared>>)
        tpu.yield
      }) : () -> ()
    }
    %scan3A_7 = arith.constant 79 : i32
    %barrier3A_8 = arith.constant 0 : index
    tpu.barrier barrier_id(%barrier3A_8)
    "tpu.region"() ({
      %run_scoped3A = tpu.sem_alloc : memref<!tpu.dma_semaphore, #tpu.memory_space<semaphore_mem>>
      %dma_start3A = arith.constant 0 : i32
      %dma_start3A_9 = tpu.memref_slice %arg5[%arg0, %mul3A_2, %dma_start3A] : memref<2x10240x128xf32, #tpu.memory_space<hbm>> -> memref<1x640x128xf32, #tpu.memory_space<hbm>>
      %dma_start3A_10 = tpu.memref_squeeze %dma_start3A_9 : memref<1x640x128xf32, #tpu.memory_space<hbm>> -> memref<640x128xf32, #tpu.memory_space<hbm>>
      %dma_start3A_11 = arith.constant 0 : i32
      %dma_start3A_12 = tpu.memref_slice %arg8[%mul3A_2, %dma_start3A_11] : memref<10240x128xf32, #tpu.memory_space<vmem_shared>> -> memref<640x128xf32, #tpu.memory_space<vmem_shared>>
      tpu.enqueue_dma source(%dma_start3A_12 : memref<640x128xf32, #tpu.memory_space<vmem_shared>>) target(%dma_start3A_10 : memref<640x128xf32, #tpu.memory_space<hbm>>) target_semaphore(%run_scoped3A : memref<!tpu.dma_semaphore, #tpu.memory_space<semaphore_mem>>)
      %dma_wait3A = arith.constant 0 : i32
      %dma_wait3A_13 = tpu.memref_slice %arg5[%arg0, %mul3A_2, %dma_wait3A] : memref<2x10240x128xf32, #tpu.memory_space<hbm>> -> memref<1x640x128xf32, #tpu.memory_space<hbm>>
      %dma_wait3A_14 = tpu.memref_squeeze %dma_wait3A_13 : memref<1x640x128xf32, #tpu.memory_space<hbm>> -> memref<640x128xf32, #tpu.memory_space<hbm>>
      %dma_wait3A_15 = arith.constant 0 : i32
      %dma_wait3A_16 = tpu.memref_slice %arg8[%mul3A_2, %dma_wait3A_15] : memref<10240x128xf32, #tpu.memory_space<vmem_shared>> -> memref<640x128xf32, #tpu.memory_space<vmem_shared>>
      tpu.wait_dma2 semaphore(%run_scoped3A : memref<!tpu.dma_semaphore, #tpu.memory_space<semaphore_mem>>) src(%dma_wait3A_16 : memref<640x128xf32, #tpu.memory_space<vmem_shared>>) dst(%dma_wait3A_14 : memref<640x128xf32, #tpu.memory_space<hbm>>)
      tpu.yield
    }) : () -> ()
    return
  }
}

#map = affine_map<(d0, d1) -> (0, 0)>
#map1 = affine_map<(d0, d1) -> (0, 0, 0, 0)>
#map2 = affine_map<(d0, d1) -> (0, 0, 0)>
module attributes {stable_mosaic.version = 14 : i64} {
  func.func @_sc_edge_scatter(%arg0: i32, %arg1: i32, %arg2: memref<10240x128xf32, #tpu.memory_space<hbm>>, %arg3: memref<32x153x2x96xi32, #tpu.memory_space<hbm>>, %arg4: memref<10240x128xf32, #tpu.memory_space<hbm>>, %arg5: memref<2x10240x128xf32, #tpu.memory_space<hbm>>, %arg6: memref<6x2x96xi32, #tpu.memory_space<vmem>>, %arg7: memref<3x96x128xf32, #tpu.memory_space<vmem>>, %arg8: memref<10240x128xf32, #tpu.memory_space<vmem_shared>>, %arg9: memref<6x!tpu.dma_semaphore, #tpu.memory_space<semaphore_mem>>, %arg10: memref<3x!tpu.dma_semaphore, #tpu.memory_space<semaphore_mem>>) attributes {dimension_semantics = [#tpu.dimension_semantics<core_parallel>, #tpu.dimension_semantics<subcore_parallel>], iteration_bounds = array<i64: 2, 16>, scalar_prefetch = 0 : i64, scratch_operands = 5 : i64, tpu.core_type = #tpu.core_type<sc_vector_subcore>, window_params = [{transform_indices = #map}, {transform_indices = #map1}, {transform_indices = #map}, {transform_indices = #map2}]} {
    %mul3A = arith.constant 16 : i32
    %mul3A_0 = arith.muli %arg0, %mul3A : i32
    %add3A = arith.addi %mul3A_0, %arg1 : i32
    %eq3A = arith.constant 0 : i32
    %eq3A_1 = arith.cmpi eq, %arg0, %eq3A : i32
    %jit3A = arith.constant 153 : i32
    %jit3A_2 = arith.constant 57 : i32
    %select_n3A = arith.select %eq3A_1, %jit3A, %jit3A_2 : i32
    %mul3A_3 = arith.constant 640 : i32
    %mul3A_4 = arith.muli %arg1, %mul3A_3 : i32
    "tpu.region"() ({
      %run_scoped3A_133 = tpu.sem_alloc : memref<!tpu.dma_semaphore, #tpu.memory_space<semaphore_mem>>
      %dma_start3A_134 = arith.constant 0 : i32
      %dma_start3A_135 = tpu.memref_slice %arg8[%mul3A_4, %dma_start3A_134] : memref<10240x128xf32, #tpu.memory_space<vmem_shared>> -> memref<640x128xf32, #tpu.memory_space<vmem_shared>>
      %dma_start3A_136 = arith.constant 0 : i32
      %dma_start3A_137 = tpu.memref_slice %arg4[%mul3A_4, %dma_start3A_136] : memref<10240x128xf32, #tpu.memory_space<hbm>> -> memref<640x128xf32, #tpu.memory_space<hbm>>
      tpu.enqueue_dma source(%dma_start3A_137 : memref<640x128xf32, #tpu.memory_space<hbm>>) target(%dma_start3A_135 : memref<640x128xf32, #tpu.memory_space<vmem_shared>>) target_semaphore(%run_scoped3A_133 : memref<!tpu.dma_semaphore, #tpu.memory_space<semaphore_mem>>)
      %dma_wait3A = arith.constant 0 : i32
      %dma_wait3A_138 = tpu.memref_slice %arg8[%mul3A_4, %dma_wait3A] : memref<10240x128xf32, #tpu.memory_space<vmem_shared>> -> memref<640x128xf32, #tpu.memory_space<vmem_shared>>
      %dma_wait3A_139 = arith.constant 0 : i32
      %dma_wait3A_140 = tpu.memref_slice %arg4[%mul3A_4, %dma_wait3A_139] : memref<10240x128xf32, #tpu.memory_space<hbm>> -> memref<640x128xf32, #tpu.memory_space<hbm>>
      tpu.wait_dma2 semaphore(%run_scoped3A_133 : memref<!tpu.dma_semaphore, #tpu.memory_space<semaphore_mem>>) src(%dma_wait3A_140 : memref<640x128xf32, #tpu.memory_space<hbm>>) dst(%dma_wait3A_138 : memref<640x128xf32, #tpu.memory_space<vmem_shared>>)
      tpu.yield
    }) : () -> ()
    %barrier3A = arith.constant 0 : index
    tpu.barrier barrier_id(%barrier3A)
    %run_scoped3A = arith.constant 0 : i32
    %run_scoped3A_5 = arith.constant 0 : i32
    "tpu.region"() ({
      %run_scoped3A_133 = tpu.sem_alloc : memref<!tpu.dma_semaphore, #tpu.memory_space<semaphore_mem>>
      %dma_start3A_134 = arith.constant 0 : i32
      %dma_start3A_135 = arith.constant 0 : i32
      %dma_start3A_136 = tpu.memref_slice %arg6[%run_scoped3A_5, %dma_start3A_134, %dma_start3A_135] : memref<6x2x96xi32, #tpu.memory_space<vmem>> -> memref<1x2x96xi32, #tpu.memory_space<vmem>>
      %dma_start3A_137 = tpu.memref_squeeze %dma_start3A_136 : memref<1x2x96xi32, #tpu.memory_space<vmem>> -> memref<2x96xi32, #tpu.memory_space<vmem>>
      %dma_start3A_138 = arith.constant 0 : i32
      %dma_start3A_139 = arith.constant 0 : i32
      %dma_start3A_140 = tpu.memref_slice %arg3[%add3A, %run_scoped3A, %dma_start3A_138, %dma_start3A_139] : memref<32x153x2x96xi32, #tpu.memory_space<hbm>> -> memref<1x1x2x96xi32, #tpu.memory_space<hbm>>
      %dma_start3A_141 = tpu.memref_squeeze %dma_start3A_140 : memref<1x1x2x96xi32, #tpu.memory_space<hbm>> -> memref<2x96xi32, #tpu.memory_space<hbm>>
      %dma_start3A_142 = arith.constant 0 : i32
      %dma_start3A_143 = arith.constant 0 : i32
      %dma_start3A_144 = tpu.memref_slice %arg6[%run_scoped3A_5, %dma_start3A_142, %dma_start3A_143] : memref<6x2x96xi32, #tpu.memory_space<vmem>> -> memref<1x2x96xi32, #tpu.memory_space<vmem>>
      %dma_start3A_145 = tpu.memref_squeeze %dma_start3A_144 : memref<1x2x96xi32, #tpu.memory_space<vmem>> -> memref<2x96xi32, #tpu.memory_space<vmem>>
      %dma_start3A_146 = arith.constant 0 : i32
      %dma_start3A_147 = arith.constant 0 : i32
      %dma_start3A_148 = tpu.memref_slice %arg3[%add3A, %run_scoped3A, %dma_start3A_146, %dma_start3A_147] : memref<32x153x2x96xi32, #tpu.memory_space<hbm>> -> memref<1x1x2x96xi32, #tpu.memory_space<hbm>>
      %dma_start3A_149 = tpu.memref_squeeze %dma_start3A_148 : memref<1x1x2x96xi32, #tpu.memory_space<hbm>> -> memref<2x96xi32, #tpu.memory_space<hbm>>
      tpu.enqueue_dma source(%dma_start3A_149 : memref<2x96xi32, #tpu.memory_space<hbm>>) target(%dma_start3A_145 : memref<2x96xi32, #tpu.memory_space<vmem>>) target_semaphore(%run_scoped3A_133 : memref<!tpu.dma_semaphore, #tpu.memory_space<semaphore_mem>>)
      %dma_wait3A = arith.constant 0 : i32
      %dma_wait3A_150 = arith.constant 0 : i32
      %dma_wait3A_151 = tpu.memref_slice %arg6[%run_scoped3A_5, %dma_wait3A, %dma_wait3A_150] : memref<6x2x96xi32, #tpu.memory_space<vmem>> -> memref<1x2x96xi32, #tpu.memory_space<vmem>>
      %dma_wait3A_152 = tpu.memref_squeeze %dma_wait3A_151 : memref<1x2x96xi32, #tpu.memory_space<vmem>> -> memref<2x96xi32, #tpu.memory_space<vmem>>
      %dma_wait3A_153 = arith.constant 0 : i32
      %dma_wait3A_154 = arith.constant 0 : i32
      %dma_wait3A_155 = tpu.memref_slice %arg3[%add3A, %run_scoped3A, %dma_wait3A_153, %dma_wait3A_154] : memref<32x153x2x96xi32, #tpu.memory_space<hbm>> -> memref<1x1x2x96xi32, #tpu.memory_space<hbm>>
      %dma_wait3A_156 = tpu.memref_squeeze %dma_wait3A_155 : memref<1x1x2x96xi32, #tpu.memory_space<hbm>> -> memref<2x96xi32, #tpu.memory_space<hbm>>
      %dma_wait3A_157 = arith.constant 0 : i32
      %dma_wait3A_158 = arith.constant 0 : i32
      %dma_wait3A_159 = tpu.memref_slice %arg6[%run_scoped3A_5, %dma_wait3A_157, %dma_wait3A_158] : memref<6x2x96xi32, #tpu.memory_space<vmem>> -> memref<1x2x96xi32, #tpu.memory_space<vmem>>
      %dma_wait3A_160 = tpu.memref_squeeze %dma_wait3A_159 : memref<1x2x96xi32, #tpu.memory_space<vmem>> -> memref<2x96xi32, #tpu.memory_space<vmem>>
      %dma_wait3A_161 = arith.constant 0 : i32
      %dma_wait3A_162 = arith.constant 0 : i32
      %dma_wait3A_163 = tpu.memref_slice %arg3[%add3A, %run_scoped3A, %dma_wait3A_161, %dma_wait3A_162] : memref<32x153x2x96xi32, #tpu.memory_space<hbm>> -> memref<1x1x2x96xi32, #tpu.memory_space<hbm>>
      %dma_wait3A_164 = tpu.memref_squeeze %dma_wait3A_163 : memref<1x1x2x96xi32, #tpu.memory_space<hbm>> -> memref<2x96xi32, #tpu.memory_space<hbm>>
      tpu.wait_dma2 semaphore(%run_scoped3A_133 : memref<!tpu.dma_semaphore, #tpu.memory_space<semaphore_mem>>) src(%dma_wait3A_164 : memref<2x96xi32, #tpu.memory_space<hbm>>) dst(%dma_wait3A_160 : memref<2x96xi32, #tpu.memory_space<vmem>>)
      tpu.yield
    }) : () -> ()
    %dma_start3A = arith.constant 0 : i32
    %dma_start3A_6 = arith.constant 0 : i32
    %dma_start3A_7 = arith.constant 0 : i32
    %dma_start3A_8 = arith.constant 0 : i32
    %dma_start3A_9 = arith.constant 0 : i32
    %dma_start3A_10 = arith.constant 0 : i32
    %dma_start3A_11 = tpu.memref_slice %arg7[%dma_start3A_7, %dma_start3A_9, %dma_start3A_10] : memref<3x96x128xf32, #tpu.memory_space<vmem>> -> memref<1x96x128xf32, #tpu.memory_space<vmem>>
    %dma_start3A_12 = tpu.memref_squeeze %dma_start3A_11 : memref<1x96x128xf32, #tpu.memory_space<vmem>> -> memref<96x128xf32, #tpu.memory_space<vmem>>
    %dma_start3A_13 = arith.constant 0 : i32
    %dma_start3A_14 = tpu.memref_slice %arg6[%dma_start3A, %dma_start3A_6, %dma_start3A_13] : memref<6x2x96xi32, #tpu.memory_space<vmem>> -> memref<1x1x96xi32, #tpu.memory_space<vmem>>
    %dma_start3A_15 = tpu.memref_squeeze %dma_start3A_14 : memref<1x1x96xi32, #tpu.memory_space<vmem>> -> memref<96xi32, #tpu.memory_space<vmem>>
    %dma_start3A_16 = arith.constant 0 : i32
    %dma_start3A_17 = arith.constant 0 : i32
    %dma_start3A_18 = tpu.memref_slice %arg2[%dma_start3A_16, %dma_start3A_17] : memref<10240x128xf32, #tpu.memory_space<hbm>> -> memref<10240x128xf32, #tpu.memory_space<hbm>>
    %dma_start3A_19 = tpu.memref_slice %arg10[%dma_start3A_8] : memref<3x!tpu.dma_semaphore, #tpu.memory_space<semaphore_mem>> -> memref<1x!tpu.dma_semaphore, #tpu.memory_space<semaphore_mem>>
    %dma_start3A_20 = tpu.memref_squeeze %dma_start3A_19 : memref<1x!tpu.dma_semaphore, #tpu.memory_space<semaphore_mem>> -> memref<!tpu.dma_semaphore, #tpu.memory_space<semaphore_mem>>
    tpu.enqueue_indirect_dma source(%dma_start3A_18 : memref<10240x128xf32, #tpu.memory_space<hbm>>) target(%dma_start3A_12 : memref<96x128xf32, #tpu.memory_space<vmem>>) offsets(%dma_start3A_15 : memref<96xi32, #tpu.memory_space<vmem>>) semaphore(%dma_start3A_20 : memref<!tpu.dma_semaphore, #tpu.memory_space<semaphore_mem>>)
    %run_scoped3A_21 = arith.constant 1 : i32
    %run_scoped3A_22 = arith.constant 1 : i32
    "tpu.region"() ({
      %run_scoped3A_133 = tpu.sem_alloc : memref<!tpu.dma_semaphore, #tpu.memory_space<semaphore_mem>>
      %dma_start3A_134 = arith.constant 0 : i32
      %dma_start3A_135 = arith.constant 0 : i32
      %dma_start3A_136 = tpu.memref_slice %arg6[%run_scoped3A_22, %dma_start3A_134, %dma_start3A_135] : memref<6x2x96xi32, #tpu.memory_space<vmem>> -> memref<1x2x96xi32, #tpu.memory_space<vmem>>
      %dma_start3A_137 = tpu.memref_squeeze %dma_start3A_136 : memref<1x2x96xi32, #tpu.memory_space<vmem>> -> memref<2x96xi32, #tpu.memory_space<vmem>>
      %dma_start3A_138 = arith.constant 0 : i32
      %dma_start3A_139 = arith.constant 0 : i32
      %dma_start3A_140 = tpu.memref_slice %arg3[%add3A, %run_scoped3A_21, %dma_start3A_138, %dma_start3A_139] : memref<32x153x2x96xi32, #tpu.memory_space<hbm>> -> memref<1x1x2x96xi32, #tpu.memory_space<hbm>>
      %dma_start3A_141 = tpu.memref_squeeze %dma_start3A_140 : memref<1x1x2x96xi32, #tpu.memory_space<hbm>> -> memref<2x96xi32, #tpu.memory_space<hbm>>
      %dma_start3A_142 = arith.constant 0 : i32
      %dma_start3A_143 = arith.constant 0 : i32
      %dma_start3A_144 = tpu.memref_slice %arg6[%run_scoped3A_22, %dma_start3A_142, %dma_start3A_143] : memref<6x2x96xi32, #tpu.memory_space<vmem>> -> memref<1x2x96xi32, #tpu.memory_space<vmem>>
      %dma_start3A_145 = tpu.memref_squeeze %dma_start3A_144 : memref<1x2x96xi32, #tpu.memory_space<vmem>> -> memref<2x96xi32, #tpu.memory_space<vmem>>
      %dma_start3A_146 = arith.constant 0 : i32
      %dma_start3A_147 = arith.constant 0 : i32
      %dma_start3A_148 = tpu.memref_slice %arg3[%add3A, %run_scoped3A_21, %dma_start3A_146, %dma_start3A_147] : memref<32x153x2x96xi32, #tpu.memory_space<hbm>> -> memref<1x1x2x96xi32, #tpu.memory_space<hbm>>
      %dma_start3A_149 = tpu.memref_squeeze %dma_start3A_148 : memref<1x1x2x96xi32, #tpu.memory_space<hbm>> -> memref<2x96xi32, #tpu.memory_space<hbm>>
      tpu.enqueue_dma source(%dma_start3A_149 : memref<2x96xi32, #tpu.memory_space<hbm>>) target(%dma_start3A_145 : memref<2x96xi32, #tpu.memory_space<vmem>>) target_semaphore(%run_scoped3A_133 : memref<!tpu.dma_semaphore, #tpu.memory_space<semaphore_mem>>)
      %dma_wait3A = arith.constant 0 : i32
      %dma_wait3A_150 = arith.constant 0 : i32
      %dma_wait3A_151 = tpu.memref_slice %arg6[%run_scoped3A_22, %dma_wait3A, %dma_wait3A_150] : memref<6x2x96xi32, #tpu.memory_space<vmem>> -> memref<1x2x96xi32, #tpu.memory_space<vmem>>
      %dma_wait3A_152 = tpu.memref_squeeze %dma_wait3A_151 : memref<1x2x96xi32, #tpu.memory_space<vmem>> -> memref<2x96xi32, #tpu.memory_space<vmem>>
      %dma_wait3A_153 = arith.constant 0 : i32
      %dma_wait3A_154 = arith.constant 0 : i32
      %dma_wait3A_155 = tpu.memref_slice %arg3[%add3A, %run_scoped3A_21, %dma_wait3A_153, %dma_wait3A_154] : memref<32x153x2x96xi32, #tpu.memory_space<hbm>> -> memref<1x1x2x96xi32, #tpu.memory_space<hbm>>
      %dma_wait3A_156 = tpu.memref_squeeze %dma_wait3A_155 : memref<1x1x2x96xi32, #tpu.memory_space<hbm>> -> memref<2x96xi32, #tpu.memory_space<hbm>>
      %dma_wait3A_157 = arith.constant 0 : i32
      %dma_wait3A_158 = arith.constant 0 : i32
      %dma_wait3A_159 = tpu.memref_slice %arg6[%run_scoped3A_22, %dma_wait3A_157, %dma_wait3A_158] : memref<6x2x96xi32, #tpu.memory_space<vmem>> -> memref<1x2x96xi32, #tpu.memory_space<vmem>>
      %dma_wait3A_160 = tpu.memref_squeeze %dma_wait3A_159 : memref<1x2x96xi32, #tpu.memory_space<vmem>> -> memref<2x96xi32, #tpu.memory_space<vmem>>
      %dma_wait3A_161 = arith.constant 0 : i32
      %dma_wait3A_162 = arith.constant 0 : i32
      %dma_wait3A_163 = tpu.memref_slice %arg3[%add3A, %run_scoped3A_21, %dma_wait3A_161, %dma_wait3A_162] : memref<32x153x2x96xi32, #tpu.memory_space<hbm>> -> memref<1x1x2x96xi32, #tpu.memory_space<hbm>>
      %dma_wait3A_164 = tpu.memref_squeeze %dma_wait3A_163 : memref<1x1x2x96xi32, #tpu.memory_space<hbm>> -> memref<2x96xi32, #tpu.memory_space<hbm>>
      tpu.wait_dma2 semaphore(%run_scoped3A_133 : memref<!tpu.dma_semaphore, #tpu.memory_space<semaphore_mem>>) src(%dma_wait3A_164 : memref<2x96xi32, #tpu.memory_space<hbm>>) dst(%dma_wait3A_160 : memref<2x96xi32, #tpu.memory_space<vmem>>)
      tpu.yield
    }) : () -> ()
    %dma_start3A_23 = arith.constant 1 : i32
    %dma_start3A_24 = arith.constant 0 : i32
    %dma_start3A_25 = arith.constant 1 : i32
    %dma_start3A_26 = arith.constant 1 : i32
    %dma_start3A_27 = arith.constant 0 : i32
    %dma_start3A_28 = arith.constant 0 : i32
    %dma_start3A_29 = tpu.memref_slice %arg7[%dma_start3A_25, %dma_start3A_27, %dma_start3A_28] : memref<3x96x128xf32, #tpu.memory_space<vmem>> -> memref<1x96x128xf32, #tpu.memory_space<vmem>>
    %dma_start3A_30 = tpu.memref_squeeze %dma_start3A_29 : memref<1x96x128xf32, #tpu.memory_space<vmem>> -> memref<96x128xf32, #tpu.memory_space<vmem>>
    %dma_start3A_31 = arith.constant 0 : i32
    %dma_start3A_32 = tpu.memref_slice %arg6[%dma_start3A_23, %dma_start3A_24, %dma_start3A_31] : memref<6x2x96xi32, #tpu.memory_space<vmem>> -> memref<1x1x96xi32, #tpu.memory_space<vmem>>
    %dma_start3A_33 = tpu.memref_squeeze %dma_start3A_32 : memref<1x1x96xi32, #tpu.memory_space<vmem>> -> memref<96xi32, #tpu.memory_space<vmem>>
    %dma_start3A_34 = arith.constant 0 : i32
    %dma_start3A_35 = arith.constant 0 : i32
    %dma_start3A_36 = tpu.memref_slice %arg2[%dma_start3A_34, %dma_start3A_35] : memref<10240x128xf32, #tpu.memory_space<hbm>> -> memref<10240x128xf32, #tpu.memory_space<hbm>>
    %dma_start3A_37 = tpu.memref_slice %arg10[%dma_start3A_26] : memref<3x!tpu.dma_semaphore, #tpu.memory_space<semaphore_mem>> -> memref<1x!tpu.dma_semaphore, #tpu.memory_space<semaphore_mem>>
    %dma_start3A_38 = tpu.memref_squeeze %dma_start3A_37 : memref<1x!tpu.dma_semaphore, #tpu.memory_space<semaphore_mem>> -> memref<!tpu.dma_semaphore, #tpu.memory_space<semaphore_mem>>
    tpu.enqueue_indirect_dma source(%dma_start3A_36 : memref<10240x128xf32, #tpu.memory_space<hbm>>) target(%dma_start3A_30 : memref<96x128xf32, #tpu.memory_space<vmem>>) offsets(%dma_start3A_33 : memref<96xi32, #tpu.memory_space<vmem>>) semaphore(%dma_start3A_38 : memref<!tpu.dma_semaphore, #tpu.memory_space<semaphore_mem>>)
    %dma_start3A_39 = arith.constant 2 : i32
    %dma_start3A_40 = arith.constant 2 : i32
    %dma_start3A_41 = arith.constant 2 : i32
    %dma_start3A_42 = arith.constant 0 : i32
    %dma_start3A_43 = arith.constant 0 : i32
    %dma_start3A_44 = tpu.memref_slice %arg6[%dma_start3A_40, %dma_start3A_42, %dma_start3A_43] : memref<6x2x96xi32, #tpu.memory_space<vmem>> -> memref<1x2x96xi32, #tpu.memory_space<vmem>>
    %dma_start3A_45 = tpu.memref_squeeze %dma_start3A_44 : memref<1x2x96xi32, #tpu.memory_space<vmem>> -> memref<2x96xi32, #tpu.memory_space<vmem>>
    %dma_start3A_46 = arith.constant 0 : i32
    %dma_start3A_47 = arith.constant 0 : i32
    %dma_start3A_48 = tpu.memref_slice %arg3[%add3A, %dma_start3A_39, %dma_start3A_46, %dma_start3A_47] : memref<32x153x2x96xi32, #tpu.memory_space<hbm>> -> memref<1x1x2x96xi32, #tpu.memory_space<hbm>>
    %dma_start3A_49 = tpu.memref_squeeze %dma_start3A_48 : memref<1x1x2x96xi32, #tpu.memory_space<hbm>> -> memref<2x96xi32, #tpu.memory_space<hbm>>
    %dma_start3A_50 = tpu.memref_slice %arg9[%dma_start3A_41] : memref<6x!tpu.dma_semaphore, #tpu.memory_space<semaphore_mem>> -> memref<1x!tpu.dma_semaphore, #tpu.memory_space<semaphore_mem>>
    %dma_start3A_51 = tpu.memref_squeeze %dma_start3A_50 : memref<1x!tpu.dma_semaphore, #tpu.memory_space<semaphore_mem>> -> memref<!tpu.dma_semaphore, #tpu.memory_space<semaphore_mem>>
    %dma_start3A_52 = arith.constant 0 : i32
    %dma_start3A_53 = arith.constant 0 : i32
    %dma_start3A_54 = tpu.memref_slice %arg6[%dma_start3A_40, %dma_start3A_52, %dma_start3A_53] : memref<6x2x96xi32, #tpu.memory_space<vmem>> -> memref<1x2x96xi32, #tpu.memory_space<vmem>>
    %dma_start3A_55 = tpu.memref_squeeze %dma_start3A_54 : memref<1x2x96xi32, #tpu.memory_space<vmem>> -> memref<2x96xi32, #tpu.memory_space<vmem>>
    %dma_start3A_56 = arith.constant 0 : i32
    %dma_start3A_57 = arith.constant 0 : i32
    %dma_start3A_58 = tpu.memref_slice %arg3[%add3A, %dma_start3A_39, %dma_start3A_56, %dma_start3A_57] : memref<32x153x2x96xi32, #tpu.memory_space<hbm>> -> memref<1x1x2x96xi32, #tpu.memory_space<hbm>>
    %dma_start3A_59 = tpu.memref_squeeze %dma_start3A_58 : memref<1x1x2x96xi32, #tpu.memory_space<hbm>> -> memref<2x96xi32, #tpu.memory_space<hbm>>
    tpu.enqueue_dma source(%dma_start3A_59 : memref<2x96xi32, #tpu.memory_space<hbm>>) target(%dma_start3A_55 : memref<2x96xi32, #tpu.memory_space<vmem>>) target_semaphore(%dma_start3A_51 : memref<!tpu.dma_semaphore, #tpu.memory_space<semaphore_mem>>)
    %dma_start3A_60 = arith.constant 3 : i32
    %dma_start3A_61 = arith.constant 3 : i32
    %dma_start3A_62 = arith.constant 3 : i32
    %dma_start3A_63 = arith.constant 0 : i32
    %dma_start3A_64 = arith.constant 0 : i32
    %dma_start3A_65 = tpu.memref_slice %arg6[%dma_start3A_61, %dma_start3A_63, %dma_start3A_64] : memref<6x2x96xi32, #tpu.memory_space<vmem>> -> memref<1x2x96xi32, #tpu.memory_space<vmem>>
    %dma_start3A_66 = tpu.memref_squeeze %dma_start3A_65 : memref<1x2x96xi32, #tpu.memory_space<vmem>> -> memref<2x96xi32, #tpu.memory_space<vmem>>
    %dma_start3A_67 = arith.constant 0 : i32
    %dma_start3A_68 = arith.constant 0 : i32
    %dma_start3A_69 = tpu.memref_slice %arg3[%add3A, %dma_start3A_60, %dma_start3A_67, %dma_start3A_68] : memref<32x153x2x96xi32, #tpu.memory_space<hbm>> -> memref<1x1x2x96xi32, #tpu.memory_space<hbm>>
    %dma_start3A_70 = tpu.memref_squeeze %dma_start3A_69 : memref<1x1x2x96xi32, #tpu.memory_space<hbm>> -> memref<2x96xi32, #tpu.memory_space<hbm>>
    %dma_start3A_71 = tpu.memref_slice %arg9[%dma_start3A_62] : memref<6x!tpu.dma_semaphore, #tpu.memory_space<semaphore_mem>> -> memref<1x!tpu.dma_semaphore, #tpu.memory_space<semaphore_mem>>
    %dma_start3A_72 = tpu.memref_squeeze %dma_start3A_71 : memref<1x!tpu.dma_semaphore, #tpu.memory_space<semaphore_mem>> -> memref<!tpu.dma_semaphore, #tpu.memory_space<semaphore_mem>>
    %dma_start3A_73 = arith.constant 0 : i32
    %dma_start3A_74 = arith.constant 0 : i32
    %dma_start3A_75 = tpu.memref_slice %arg6[%dma_start3A_61, %dma_start3A_73, %dma_start3A_74] : memref<6x2x96xi32, #tpu.memory_space<vmem>> -> memref<1x2x96xi32, #tpu.memory_space<vmem>>
    %dma_start3A_76 = tpu.memref_squeeze %dma_start3A_75 : memref<1x2x96xi32, #tpu.memory_space<vmem>> -> memref<2x96xi32, #tpu.memory_space<vmem>>
    %dma_start3A_77 = arith.constant 0 : i32
    %dma_start3A_78 = arith.constant 0 : i32
    %dma_start3A_79 = tpu.memref_slice %arg3[%add3A, %dma_start3A_60, %dma_start3A_77, %dma_start3A_78] : memref<32x153x2x96xi32, #tpu.memory_space<hbm>> -> memref<1x1x2x96xi32, #tpu.memory_space<hbm>>
    %dma_start3A_80 = tpu.memref_squeeze %dma_start3A_79 : memref<1x1x2x96xi32, #tpu.memory_space<hbm>> -> memref<2x96xi32, #tpu.memory_space<hbm>>
    tpu.enqueue_dma source(%dma_start3A_80 : memref<2x96xi32, #tpu.memory_space<hbm>>) target(%dma_start3A_76 : memref<2x96xi32, #tpu.memory_space<vmem>>) target_semaphore(%dma_start3A_72 : memref<!tpu.dma_semaphore, #tpu.memory_space<semaphore_mem>>)
    %dma_start3A_81 = arith.constant 4 : i32
    %dma_start3A_82 = arith.constant 4 : i32
    %dma_start3A_83 = arith.constant 4 : i32
    %dma_start3A_84 = arith.constant 0 : i32
    %dma_start3A_85 = arith.constant 0 : i32
    %dma_start3A_86 = tpu.memref_slice %arg6[%dma_start3A_82, %dma_start3A_84, %dma_start3A_85] : memref<6x2x96xi32, #tpu.memory_space<vmem>> -> memref<1x2x96xi32, #tpu.memory_space<vmem>>
    %dma_start3A_87 = tpu.memref_squeeze %dma_start3A_86 : memref<1x2x96xi32, #tpu.memory_space<vmem>> -> memref<2x96xi32, #tpu.memory_space<vmem>>
    %dma_start3A_88 = arith.constant 0 : i32
    %dma_start3A_89 = arith.constant 0 : i32
    %dma_start3A_90 = tpu.memref_slice %arg3[%add3A, %dma_start3A_81, %dma_start3A_88, %dma_start3A_89] : memref<32x153x2x96xi32, #tpu.memory_space<hbm>> -> memref<1x1x2x96xi32, #tpu.memory_space<hbm>>
    %dma_start3A_91 = tpu.memref_squeeze %dma_start3A_90 : memref<1x1x2x96xi32, #tpu.memory_space<hbm>> -> memref<2x96xi32, #tpu.memory_space<hbm>>
    %dma_start3A_92 = tpu.memref_slice %arg9[%dma_start3A_83] : memref<6x!tpu.dma_semaphore, #tpu.memory_space<semaphore_mem>> -> memref<1x!tpu.dma_semaphore, #tpu.memory_space<semaphore_mem>>
    %dma_start3A_93 = tpu.memref_squeeze %dma_start3A_92 : memref<1x!tpu.dma_semaphore, #tpu.memory_space<semaphore_mem>> -> memref<!tpu.dma_semaphore, #tpu.memory_space<semaphore_mem>>
    %dma_start3A_94 = arith.constant 0 : i32
    %dma_start3A_95 = arith.constant 0 : i32
    %dma_start3A_96 = tpu.memref_slice %arg6[%dma_start3A_82, %dma_start3A_94, %dma_start3A_95] : memref<6x2x96xi32, #tpu.memory_space<vmem>> -> memref<1x2x96xi32, #tpu.memory_space<vmem>>
    %dma_start3A_97 = tpu.memref_squeeze %dma_start3A_96 : memref<1x2x96xi32, #tpu.memory_space<vmem>> -> memref<2x96xi32, #tpu.memory_space<vmem>>
    %dma_start3A_98 = arith.constant 0 : i32
    %dma_start3A_99 = arith.constant 0 : i32
    %dma_start3A_100 = tpu.memref_slice %arg3[%add3A, %dma_start3A_81, %dma_start3A_98, %dma_start3A_99] : memref<32x153x2x96xi32, #tpu.memory_space<hbm>> -> memref<1x1x2x96xi32, #tpu.memory_space<hbm>>
    %dma_start3A_101 = tpu.memref_squeeze %dma_start3A_100 : memref<1x1x2x96xi32, #tpu.memory_space<hbm>> -> memref<2x96xi32, #tpu.memory_space<hbm>>
    tpu.enqueue_dma source(%dma_start3A_101 : memref<2x96xi32, #tpu.memory_space<hbm>>) target(%dma_start3A_97 : memref<2x96xi32, #tpu.memory_space<vmem>>) target_semaphore(%dma_start3A_93 : memref<!tpu.dma_semaphore, #tpu.memory_space<semaphore_mem>>)
    %dma_start3A_102 = arith.constant 5 : i32
    %dma_start3A_103 = arith.constant 5 : i32
    %dma_start3A_104 = arith.constant 5 : i32
    %dma_start3A_105 = arith.constant 0 : i32
    %dma_start3A_106 = arith.constant 0 : i32
    %dma_start3A_107 = tpu.memref_slice %arg6[%dma_start3A_103, %dma_start3A_105, %dma_start3A_106] : memref<6x2x96xi32, #tpu.memory_space<vmem>> -> memref<1x2x96xi32, #tpu.memory_space<vmem>>
    %dma_start3A_108 = tpu.memref_squeeze %dma_start3A_107 : memref<1x2x96xi32, #tpu.memory_space<vmem>> -> memref<2x96xi32, #tpu.memory_space<vmem>>
    %dma_start3A_109 = arith.constant 0 : i32
    %dma_start3A_110 = arith.constant 0 : i32
    %dma_start3A_111 = tpu.memref_slice %arg3[%add3A, %dma_start3A_102, %dma_start3A_109, %dma_start3A_110] : memref<32x153x2x96xi32, #tpu.memory_space<hbm>> -> memref<1x1x2x96xi32, #tpu.memory_space<hbm>>
    %dma_start3A_112 = tpu.memref_squeeze %dma_start3A_111 : memref<1x1x2x96xi32, #tpu.memory_space<hbm>> -> memref<2x96xi32, #tpu.memory_space<hbm>>
    %dma_start3A_113 = tpu.memref_slice %arg9[%dma_start3A_104] : memref<6x!tpu.dma_semaphore, #tpu.memory_space<semaphore_mem>> -> memref<1x!tpu.dma_semaphore, #tpu.memory_space<semaphore_mem>>
    %dma_start3A_114 = tpu.memref_squeeze %dma_start3A_113 : memref<1x!tpu.dma_semaphore, #tpu.memory_space<semaphore_mem>> -> memref<!tpu.dma_semaphore, #tpu.memory_space<semaphore_mem>>
    %dma_start3A_115 = arith.constant 0 : i32
    %dma_start3A_116 = arith.constant 0 : i32
    %dma_start3A_117 = tpu.memref_slice %arg6[%dma_start3A_103, %dma_start3A_115, %dma_start3A_116] : memref<6x2x96xi32, #tpu.memory_space<vmem>> -> memref<1x2x96xi32, #tpu.memory_space<vmem>>
    %dma_start3A_118 = tpu.memref_squeeze %dma_start3A_117 : memref<1x2x96xi32, #tpu.memory_space<vmem>> -> memref<2x96xi32, #tpu.memory_space<vmem>>
    %dma_start3A_119 = arith.constant 0 : i32
    %dma_start3A_120 = arith.constant 0 : i32
    %dma_start3A_121 = tpu.memref_slice %arg3[%add3A, %dma_start3A_102, %dma_start3A_119, %dma_start3A_120] : memref<32x153x2x96xi32, #tpu.memory_space<hbm>> -> memref<1x1x2x96xi32, #tpu.memory_space<hbm>>
    %dma_start3A_122 = tpu.memref_squeeze %dma_start3A_121 : memref<1x1x2x96xi32, #tpu.memory_space<hbm>> -> memref<2x96xi32, #tpu.memory_space<hbm>>
    tpu.enqueue_dma source(%dma_start3A_122 : memref<2x96xi32, #tpu.memory_space<hbm>>) target(%dma_start3A_118 : memref<2x96xi32, #tpu.memory_space<vmem>>) target_semaphore(%dma_start3A_114 : memref<!tpu.dma_semaphore, #tpu.memory_space<semaphore_mem>>)
    %while3A = arith.constant 0 : i32
    %while3A_123 = arith.constant 0 : i32
    %while3A_124 = arith.subi %select_n3A, %while3A_123 : i32
    %while3A_125 = arith.addi %while3A_123, %while3A_124 : i32
    %while3A_126 = arith.constant 1 : i32
    %while3A_127 = arith.divsi %while3A_124, %while3A_126 : i32
    %while3A_128 = arith.muli %while3A_127, %while3A_126 : i32
    %while3A_129 = arith.addi %while3A_123, %while3A_128 : i32
    %while3A_130 = arith.constant 1 : i32
    scf.for %while3A_133 = %while3A_123 to %while3A_129 step %while3A_130  : i32 {
      %rem3A = arith.constant 3 : i32
      %rem3A_134 = arith.remsi %while3A_133, %rem3A : i32
      %rem3A_135 = arith.constant 6 : i32
      %rem3A_136 = arith.remsi %while3A_133, %rem3A_135 : i32
      %dma_wait3A = arith.constant 0 : i32
      %dma_wait3A_137 = arith.constant 0 : i32
      %dma_wait3A_138 = arith.constant 0 : i32
      %dma_wait3A_139 = tpu.memref_slice %arg7[%rem3A_134, %dma_wait3A_137, %dma_wait3A_138] : memref<3x96x128xf32, #tpu.memory_space<vmem>> -> memref<1x96x128xf32, #tpu.memory_space<vmem>>
      %dma_wait3A_140 = tpu.memref_squeeze %dma_wait3A_139 : memref<1x96x128xf32, #tpu.memory_space<vmem>> -> memref<96x128xf32, #tpu.memory_space<vmem>>
      %dma_wait3A_141 = arith.constant 0 : i32
      %dma_wait3A_142 = tpu.memref_slice %arg6[%rem3A_136, %dma_wait3A, %dma_wait3A_141] : memref<6x2x96xi32, #tpu.memory_space<vmem>> -> memref<1x1x96xi32, #tpu.memory_space<vmem>>
      %dma_wait3A_143 = tpu.memref_squeeze %dma_wait3A_142 : memref<1x1x96xi32, #tpu.memory_space<vmem>> -> memref<96xi32, #tpu.memory_space<vmem>>
      %dma_wait3A_144 = arith.constant 0 : i32
      %dma_wait3A_145 = arith.constant 0 : i32
      %dma_wait3A_146 = tpu.memref_slice %arg2[%dma_wait3A_144, %dma_wait3A_145] : memref<10240x128xf32, #tpu.memory_space<hbm>> -> memref<10240x128xf32, #tpu.memory_space<hbm>>
      %dma_wait3A_147 = tpu.memref_slice %arg10[%rem3A_134] : memref<3x!tpu.dma_semaphore, #tpu.memory_space<semaphore_mem>> -> memref<1x!tpu.dma_semaphore, #tpu.memory_space<semaphore_mem>>
      %dma_wait3A_148 = tpu.memref_squeeze %dma_wait3A_147 : memref<1x!tpu.dma_semaphore, #tpu.memory_space<semaphore_mem>> -> memref<!tpu.dma_semaphore, #tpu.memory_space<semaphore_mem>>
      tpu.wait_indirect_dma semaphore(%dma_wait3A_148 : memref<!tpu.dma_semaphore, #tpu.memory_space<semaphore_mem>>) src(%dma_wait3A_146 : memref<10240x128xf32, #tpu.memory_space<hbm>>) dst(%dma_wait3A_140 : memref<96x128xf32, #tpu.memory_space<vmem>>)
      %run_scoped3A_149 = arith.constant 1 : i32
      "tpu.region"() ({
        %run_scoped3A_159 = tpu.sem_alloc : memref<!tpu.dma_semaphore, #tpu.memory_space<semaphore_mem>>
        %dma_start3A_160 = arith.constant 0 : i32
        %dma_start3A_161 = arith.constant 0 : i32
        %dma_start3A_162 = tpu.memref_slice %arg7[%rem3A_134, %dma_start3A_160, %dma_start3A_161] : memref<3x96x128xf32, #tpu.memory_space<vmem>> -> memref<1x96x128xf32, #tpu.memory_space<vmem>>
        %dma_start3A_163 = tpu.memref_squeeze %dma_start3A_162 : memref<1x96x128xf32, #tpu.memory_space<vmem>> -> memref<96x128xf32, #tpu.memory_space<vmem>>
        %dma_start3A_164 = arith.constant 0 : i32
        %dma_start3A_165 = tpu.memref_slice %arg6[%rem3A_136, %run_scoped3A_149, %dma_start3A_164] : memref<6x2x96xi32, #tpu.memory_space<vmem>> -> memref<1x1x96xi32, #tpu.memory_space<vmem>>
        %dma_start3A_166 = tpu.memref_squeeze %dma_start3A_165 : memref<1x1x96xi32, #tpu.memory_space<vmem>> -> memref<96xi32, #tpu.memory_space<vmem>>
        %dma_start3A_167 = arith.constant 0 : i32
        %dma_start3A_168 = arith.constant 0 : i32
        %dma_start3A_169 = tpu.memref_slice %arg8[%dma_start3A_167, %dma_start3A_168] : memref<10240x128xf32, #tpu.memory_space<vmem_shared>> -> memref<10240x128xf32, #tpu.memory_space<vmem_shared>>
        tpu.enqueue_indirect_dma source(%dma_start3A_163 : memref<96x128xf32, #tpu.memory_space<vmem>>) target(%dma_start3A_169 : memref<10240x128xf32, #tpu.memory_space<vmem_shared>>) offsets(%dma_start3A_166 : memref<96xi32, #tpu.memory_space<vmem>>) semaphore(%run_scoped3A_159 : memref<!tpu.dma_semaphore, #tpu.memory_space<semaphore_mem>>) {add = true}
        %dma_wait3A_170 = arith.constant 0 : i32
        %dma_wait3A_171 = arith.constant 0 : i32
        %dma_wait3A_172 = tpu.memref_slice %arg7[%rem3A_134, %dma_wait3A_170, %dma_wait3A_171] : memref<3x96x128xf32, #tpu.memory_space<vmem>> -> memref<1x96x128xf32, #tpu.memory_space<vmem>>
        %dma_wait3A_173 = tpu.memref_squeeze %dma_wait3A_172 : memref<1x96x128xf32, #tpu.memory_space<vmem>> -> memref<96x128xf32, #tpu.memory_space<vmem>>
        %dma_wait3A_174 = arith.constant 0 : i32
        %dma_wait3A_175 = tpu.memref_slice %arg6[%rem3A_136, %run_scoped3A_149, %dma_wait3A_174] : memref<6x2x96xi32, #tpu.memory_space<vmem>> -> memref<1x1x96xi32, #tpu.memory_space<vmem>>
        %dma_wait3A_176 = tpu.memref_squeeze %dma_wait3A_175 : memref<1x1x96xi32, #tpu.memory_space<vmem>> -> memref<96xi32, #tpu.memory_space<vmem>>
        %dma_wait3A_177 = arith.constant 0 : i32
        %dma_wait3A_178 = arith.constant 0 : i32
        %dma_wait3A_179 = tpu.memref_slice %arg8[%dma_wait3A_177, %dma_wait3A_178] : memref<10240x128xf32, #tpu.memory_space<vmem_shared>> -> memref<10240x128xf32, #tpu.memory_space<vmem_shared>>
        tpu.wait_indirect_dma semaphore(%run_scoped3A_159 : memref<!tpu.dma_semaphore, #tpu.memory_space<semaphore_mem>>) src(%dma_wait3A_173 : memref<96x128xf32, #tpu.memory_space<vmem>>) dst(%dma_wait3A_179 : memref<10240x128xf32, #tpu.memory_space<vmem_shared>>)
        tpu.yield
      }) : () -> ()
      %add3A_150 = arith.constant 6 : i32
      %add3A_151 = arith.addi %while3A_133, %add3A_150 : i32
      %lt3A = arith.cmpi slt, %add3A_151, %select_n3A : i32
      %convert_element_type3A = arith.extui %lt3A : i1 to i32
      %cond3A = arith.constant 0 : i32
      %cond3A_152 = arith.cmpi ne, %convert_element_type3A, %cond3A : i32
      scf.if %cond3A_152 {
        %add3A_159 = arith.constant 6 : i32
        %add3A_160 = arith.addi %while3A_133, %add3A_159 : i32
        %dma_start3A_161 = arith.constant 0 : i32
        %dma_start3A_162 = arith.constant 0 : i32
        %dma_start3A_163 = tpu.memref_slice %arg6[%rem3A_136, %dma_start3A_161, %dma_start3A_162] : memref<6x2x96xi32, #tpu.memory_space<vmem>> -> memref<1x2x96xi32, #tpu.memory_space<vmem>>
        %dma_start3A_164 = tpu.memref_squeeze %dma_start3A_163 : memref<1x2x96xi32, #tpu.memory_space<vmem>> -> memref<2x96xi32, #tpu.memory_space<vmem>>
        %dma_start3A_165 = arith.constant 0 : i32
        %dma_start3A_166 = arith.constant 0 : i32
        %dma_start3A_167 = tpu.memref_slice %arg3[%add3A, %add3A_160, %dma_start3A_165, %dma_start3A_166] : memref<32x153x2x96xi32, #tpu.memory_space<hbm>> -> memref<1x1x2x96xi32, #tpu.memory_space<hbm>>
        %dma_start3A_168 = tpu.memref_squeeze %dma_start3A_167 : memref<1x1x2x96xi32, #tpu.memory_space<hbm>> -> memref<2x96xi32, #tpu.memory_space<hbm>>
        %dma_start3A_169 = tpu.memref_slice %arg9[%rem3A_136] : memref<6x!tpu.dma_semaphore, #tpu.memory_space<semaphore_mem>> -> memref<1x!tpu.dma_semaphore, #tpu.memory_space<semaphore_mem>>
        %dma_start3A_170 = tpu.memref_squeeze %dma_start3A_169 : memref<1x!tpu.dma_semaphore, #tpu.memory_space<semaphore_mem>> -> memref<!tpu.dma_semaphore, #tpu.memory_space<semaphore_mem>>
        %dma_start3A_171 = arith.constant 0 : i32
        %dma_start3A_172 = arith.constant 0 : i32
        %dma_start3A_173 = tpu.memref_slice %arg6[%rem3A_136, %dma_start3A_171, %dma_start3A_172] : memref<6x2x96xi32, #tpu.memory_space<vmem>> -> memref<1x2x96xi32, #tpu.memory_space<vmem>>
        %dma_start3A_174 = tpu.memref_squeeze %dma_start3A_173 : memref<1x2x96xi32, #tpu.memory_space<vmem>> -> memref<2x96xi32, #tpu.memory_space<vmem>>
        %dma_start3A_175 = arith.constant 0 : i32
        %dma_start3A_176 = arith.constant 0 : i32
        %dma_start3A_177 = tpu.memref_slice %arg3[%add3A, %add3A_160, %dma_start3A_175, %dma_start3A_176] : memref<32x153x2x96xi32, #tpu.memory_space<hbm>> -> memref<1x1x2x96xi32, #tpu.memory_space<hbm>>
        %dma_start3A_178 = tpu.memref_squeeze %dma_start3A_177 : memref<1x1x2x96xi32, #tpu.memory_space<hbm>> -> memref<2x96xi32, #tpu.memory_space<hbm>>
        tpu.enqueue_dma source(%dma_start3A_178 : memref<2x96xi32, #tpu.memory_space<hbm>>) target(%dma_start3A_174 : memref<2x96xi32, #tpu.memory_space<vmem>>) target_semaphore(%dma_start3A_170 : memref<!tpu.dma_semaphore, #tpu.memory_space<semaphore_mem>>)
      } else {
      }
      %add3A_153 = arith.constant 2 : i32
      %add3A_154 = arith.addi %while3A_133, %add3A_153 : i32
      %lt3A_155 = arith.cmpi slt, %add3A_154, %select_n3A : i32
      %convert_element_type3A_156 = arith.extui %lt3A_155 : i1 to i32
      %cond3A_157 = arith.constant 0 : i32
      %cond3A_158 = arith.cmpi ne, %convert_element_type3A_156, %cond3A_157 : i32
      scf.if %cond3A_158 {
        %add3A_159 = arith.constant 2 : i32
        %add3A_160 = arith.addi %while3A_133, %add3A_159 : i32
        %rem3A_161 = arith.constant 6 : i32
        %rem3A_162 = arith.remsi %add3A_160, %rem3A_161 : i32
        %add3A_163 = arith.constant 2 : i32
        %add3A_164 = arith.addi %while3A_133, %add3A_163 : i32
        %dma_wait3A_165 = arith.constant 0 : i32
        %dma_wait3A_166 = arith.constant 0 : i32
        %dma_wait3A_167 = tpu.memref_slice %arg6[%rem3A_162, %dma_wait3A_165, %dma_wait3A_166] : memref<6x2x96xi32, #tpu.memory_space<vmem>> -> memref<1x2x96xi32, #tpu.memory_space<vmem>>
        %dma_wait3A_168 = tpu.memref_squeeze %dma_wait3A_167 : memref<1x2x96xi32, #tpu.memory_space<vmem>> -> memref<2x96xi32, #tpu.memory_space<vmem>>
        %dma_wait3A_169 = arith.constant 0 : i32
        %dma_wait3A_170 = arith.constant 0 : i32
        %dma_wait3A_171 = tpu.memref_slice %arg3[%add3A, %add3A_164, %dma_wait3A_169, %dma_wait3A_170] : memref<32x153x2x96xi32, #tpu.memory_space<hbm>> -> memref<1x1x2x96xi32, #tpu.memory_space<hbm>>
        %dma_wait3A_172 = tpu.memref_squeeze %dma_wait3A_171 : memref<1x1x2x96xi32, #tpu.memory_space<hbm>> -> memref<2x96xi32, #tpu.memory_space<hbm>>
        %dma_wait3A_173 = tpu.memref_slice %arg9[%rem3A_162] : memref<6x!tpu.dma_semaphore, #tpu.memory_space<semaphore_mem>> -> memref<1x!tpu.dma_semaphore, #tpu.memory_space<semaphore_mem>>
        %dma_wait3A_174 = tpu.memref_squeeze %dma_wait3A_173 : memref<1x!tpu.dma_semaphore, #tpu.memory_space<semaphore_mem>> -> memref<!tpu.dma_semaphore, #tpu.memory_space<semaphore_mem>>
        %dma_wait3A_175 = arith.constant 0 : i32
        %dma_wait3A_176 = arith.constant 0 : i32
        %dma_wait3A_177 = tpu.memref_slice %arg6[%rem3A_162, %dma_wait3A_175, %dma_wait3A_176] : memref<6x2x96xi32, #tpu.memory_space<vmem>> -> memref<1x2x96xi32, #tpu.memory_space<vmem>>
        %dma_wait3A_178 = tpu.memref_squeeze %dma_wait3A_177 : memref<1x2x96xi32, #tpu.memory_space<vmem>> -> memref<2x96xi32, #tpu.memory_space<vmem>>
        %dma_wait3A_179 = arith.constant 0 : i32
        %dma_wait3A_180 = arith.constant 0 : i32
        %dma_wait3A_181 = tpu.memref_slice %arg3[%add3A, %add3A_164, %dma_wait3A_179, %dma_wait3A_180] : memref<32x153x2x96xi32, #tpu.memory_space<hbm>> -> memref<1x1x2x96xi32, #tpu.memory_space<hbm>>
        %dma_wait3A_182 = tpu.memref_squeeze %dma_wait3A_181 : memref<1x1x2x96xi32, #tpu.memory_space<hbm>> -> memref<2x96xi32, #tpu.memory_space<hbm>>
        tpu.wait_dma2 semaphore(%dma_wait3A_174 : memref<!tpu.dma_semaphore, #tpu.memory_space<semaphore_mem>>) src(%dma_wait3A_182 : memref<2x96xi32, #tpu.memory_space<hbm>>) dst(%dma_wait3A_178 : memref<2x96xi32, #tpu.memory_space<vmem>>)
        %add3A_183 = arith.constant 2 : i32
        %add3A_184 = arith.addi %while3A_133, %add3A_183 : i32
        %rem3A_185 = arith.constant 3 : i32
        %rem3A_186 = arith.remsi %add3A_184, %rem3A_185 : i32
        %add3A_187 = arith.constant 2 : i32
        %add3A_188 = arith.addi %while3A_133, %add3A_187 : i32
        %rem3A_189 = arith.constant 3 : i32
        %rem3A_190 = arith.remsi %add3A_188, %rem3A_189 : i32
        %dma_start3A_191 = arith.constant 0 : i32
        %dma_start3A_192 = arith.constant 0 : i32
        %dma_start3A_193 = arith.constant 0 : i32
        %dma_start3A_194 = tpu.memref_slice %arg7[%rem3A_186, %dma_start3A_192, %dma_start3A_193] : memref<3x96x128xf32, #tpu.memory_space<vmem>> -> memref<1x96x128xf32, #tpu.memory_space<vmem>>
        %dma_start3A_195 = tpu.memref_squeeze %dma_start3A_194 : memref<1x96x128xf32, #tpu.memory_space<vmem>> -> memref<96x128xf32, #tpu.memory_space<vmem>>
        %dma_start3A_196 = arith.constant 0 : i32
        %dma_start3A_197 = tpu.memref_slice %arg6[%rem3A_162, %dma_start3A_191, %dma_start3A_196] : memref<6x2x96xi32, #tpu.memory_space<vmem>> -> memref<1x1x96xi32, #tpu.memory_space<vmem>>
        %dma_start3A_198 = tpu.memref_squeeze %dma_start3A_197 : memref<1x1x96xi32, #tpu.memory_space<vmem>> -> memref<96xi32, #tpu.memory_space<vmem>>
        %dma_start3A_199 = arith.constant 0 : i32
        %dma_start3A_200 = arith.constant 0 : i32
        %dma_start3A_201 = tpu.memref_slice %arg2[%dma_start3A_199, %dma_start3A_200] : memref<10240x128xf32, #tpu.memory_space<hbm>> -> memref<10240x128xf32, #tpu.memory_space<hbm>>
        %dma_start3A_202 = tpu.memref_slice %arg10[%rem3A_190] : memref<3x!tpu.dma_semaphore, #tpu.memory_space<semaphore_mem>> -> memref<1x!tpu.dma_semaphore, #tpu.memory_space<semaphore_mem>>
        %dma_start3A_203 = tpu.memref_squeeze %dma_start3A_202 : memref<1x!tpu.dma_semaphore, #tpu.memory_space<semaphore_mem>> -> memref<!tpu.dma_semaphore, #tpu.memory_space<semaphore_mem>>
        tpu.enqueue_indirect_dma source(%dma_start3A_201 : memref<10240x128xf32, #tpu.memory_space<hbm>>) target(%dma_start3A_195 : memref<96x128xf32, #tpu.memory_space<vmem>>) offsets(%dma_start3A_198 : memref<96xi32, #tpu.memory_space<vmem>>) semaphore(%dma_start3A_203 : memref<!tpu.dma_semaphore, #tpu.memory_space<semaphore_mem>>)
      } else {
      }
    }
    %while3A_131 = arith.constant 1 : i32
    scf.for %while3A_133 = %while3A_129 to %while3A_125 step %while3A_131  : i32 {
      %rem3A = arith.constant 3 : i32
      %rem3A_134 = arith.remsi %while3A_133, %rem3A : i32
      %rem3A_135 = arith.constant 6 : i32
      %rem3A_136 = arith.remsi %while3A_133, %rem3A_135 : i32
      %dma_wait3A = arith.constant 0 : i32
      %dma_wait3A_137 = arith.constant 0 : i32
      %dma_wait3A_138 = arith.constant 0 : i32
      %dma_wait3A_139 = tpu.memref_slice %arg7[%rem3A_134, %dma_wait3A_137, %dma_wait3A_138] : memref<3x96x128xf32, #tpu.memory_space<vmem>> -> memref<1x96x128xf32, #tpu.memory_space<vmem>>
      %dma_wait3A_140 = tpu.memref_squeeze %dma_wait3A_139 : memref<1x96x128xf32, #tpu.memory_space<vmem>> -> memref<96x128xf32, #tpu.memory_space<vmem>>
      %dma_wait3A_141 = arith.constant 0 : i32
      %dma_wait3A_142 = tpu.memref_slice %arg6[%rem3A_136, %dma_wait3A, %dma_wait3A_141] : memref<6x2x96xi32, #tpu.memory_space<vmem>> -> memref<1x1x96xi32, #tpu.memory_space<vmem>>
      %dma_wait3A_143 = tpu.memref_squeeze %dma_wait3A_142 : memref<1x1x96xi32, #tpu.memory_space<vmem>> -> memref<96xi32, #tpu.memory_space<vmem>>
      %dma_wait3A_144 = arith.constant 0 : i32
      %dma_wait3A_145 = arith.constant 0 : i32
      %dma_wait3A_146 = tpu.memref_slice %arg2[%dma_wait3A_144, %dma_wait3A_145] : memref<10240x128xf32, #tpu.memory_space<hbm>> -> memref<10240x128xf32, #tpu.memory_space<hbm>>
      %dma_wait3A_147 = tpu.memref_slice %arg10[%rem3A_134] : memref<3x!tpu.dma_semaphore, #tpu.memory_space<semaphore_mem>> -> memref<1x!tpu.dma_semaphore, #tpu.memory_space<semaphore_mem>>
      %dma_wait3A_148 = tpu.memref_squeeze %dma_wait3A_147 : memref<1x!tpu.dma_semaphore, #tpu.memory_space<semaphore_mem>> -> memref<!tpu.dma_semaphore, #tpu.memory_space<semaphore_mem>>
      tpu.wait_indirect_dma semaphore(%dma_wait3A_148 : memref<!tpu.dma_semaphore, #tpu.memory_space<semaphore_mem>>) src(%dma_wait3A_146 : memref<10240x128xf32, #tpu.memory_space<hbm>>) dst(%dma_wait3A_140 : memref<96x128xf32, #tpu.memory_space<vmem>>)
      %run_scoped3A_149 = arith.constant 1 : i32
      "tpu.region"() ({
        %run_scoped3A_159 = tpu.sem_alloc : memref<!tpu.dma_semaphore, #tpu.memory_space<semaphore_mem>>
        %dma_start3A_160 = arith.constant 0 : i32
        %dma_start3A_161 = arith.constant 0 : i32
        %dma_start3A_162 = tpu.memref_slice %arg7[%rem3A_134, %dma_start3A_160, %dma_start3A_161] : memref<3x96x128xf32, #tpu.memory_space<vmem>> -> memref<1x96x128xf32, #tpu.memory_space<vmem>>
        %dma_start3A_163 = tpu.memref_squeeze %dma_start3A_162 : memref<1x96x128xf32, #tpu.memory_space<vmem>> -> memref<96x128xf32, #tpu.memory_space<vmem>>
        %dma_start3A_164 = arith.constant 0 : i32
        %dma_start3A_165 = tpu.memref_slice %arg6[%rem3A_136, %run_scoped3A_149, %dma_start3A_164] : memref<6x2x96xi32, #tpu.memory_space<vmem>> -> memref<1x1x96xi32, #tpu.memory_space<vmem>>
        %dma_start3A_166 = tpu.memref_squeeze %dma_start3A_165 : memref<1x1x96xi32, #tpu.memory_space<vmem>> -> memref<96xi32, #tpu.memory_space<vmem>>
        %dma_start3A_167 = arith.constant 0 : i32
        %dma_start3A_168 = arith.constant 0 : i32
        %dma_start3A_169 = tpu.memref_slice %arg8[%dma_start3A_167, %dma_start3A_168] : memref<10240x128xf32, #tpu.memory_space<vmem_shared>> -> memref<10240x128xf32, #tpu.memory_space<vmem_shared>>
        tpu.enqueue_indirect_dma source(%dma_start3A_163 : memref<96x128xf32, #tpu.memory_space<vmem>>) target(%dma_start3A_169 : memref<10240x128xf32, #tpu.memory_space<vmem_shared>>) offsets(%dma_start3A_166 : memref<96xi32, #tpu.memory_space<vmem>>) semaphore(%run_scoped3A_159 : memref<!tpu.dma_semaphore, #tpu.memory_space<semaphore_mem>>) {add = true}
        %dma_wait3A_170 = arith.constant 0 : i32
        %dma_wait3A_171 = arith.constant 0 : i32
        %dma_wait3A_172 = tpu.memref_slice %arg7[%rem3A_134, %dma_wait3A_170, %dma_wait3A_171] : memref<3x96x128xf32, #tpu.memory_space<vmem>> -> memref<1x96x128xf32, #tpu.memory_space<vmem>>
        %dma_wait3A_173 = tpu.memref_squeeze %dma_wait3A_172 : memref<1x96x128xf32, #tpu.memory_space<vmem>> -> memref<96x128xf32, #tpu.memory_space<vmem>>
        %dma_wait3A_174 = arith.constant 0 : i32
        %dma_wait3A_175 = tpu.memref_slice %arg6[%rem3A_136, %run_scoped3A_149, %dma_wait3A_174] : memref<6x2x96xi32, #tpu.memory_space<vmem>> -> memref<1x1x96xi32, #tpu.memory_space<vmem>>
        %dma_wait3A_176 = tpu.memref_squeeze %dma_wait3A_175 : memref<1x1x96xi32, #tpu.memory_space<vmem>> -> memref<96xi32, #tpu.memory_space<vmem>>
        %dma_wait3A_177 = arith.constant 0 : i32
        %dma_wait3A_178 = arith.constant 0 : i32
        %dma_wait3A_179 = tpu.memref_slice %arg8[%dma_wait3A_177, %dma_wait3A_178] : memref<10240x128xf32, #tpu.memory_space<vmem_shared>> -> memref<10240x128xf32, #tpu.memory_space<vmem_shared>>
        tpu.wait_indirect_dma semaphore(%run_scoped3A_159 : memref<!tpu.dma_semaphore, #tpu.memory_space<semaphore_mem>>) src(%dma_wait3A_173 : memref<96x128xf32, #tpu.memory_space<vmem>>) dst(%dma_wait3A_179 : memref<10240x128xf32, #tpu.memory_space<vmem_shared>>)
        tpu.yield
      }) : () -> ()
      %add3A_150 = arith.constant 6 : i32
      %add3A_151 = arith.addi %while3A_133, %add3A_150 : i32
      %lt3A = arith.cmpi slt, %add3A_151, %select_n3A : i32
      %convert_element_type3A = arith.extui %lt3A : i1 to i32
      %cond3A = arith.constant 0 : i32
      %cond3A_152 = arith.cmpi ne, %convert_element_type3A, %cond3A : i32
      scf.if %cond3A_152 {
        %add3A_159 = arith.constant 6 : i32
        %add3A_160 = arith.addi %while3A_133, %add3A_159 : i32
        %dma_start3A_161 = arith.constant 0 : i32
        %dma_start3A_162 = arith.constant 0 : i32
        %dma_start3A_163 = tpu.memref_slice %arg6[%rem3A_136, %dma_start3A_161, %dma_start3A_162] : memref<6x2x96xi32, #tpu.memory_space<vmem>> -> memref<1x2x96xi32, #tpu.memory_space<vmem>>
        %dma_start3A_164 = tpu.memref_squeeze %dma_start3A_163 : memref<1x2x96xi32, #tpu.memory_space<vmem>> -> memref<2x96xi32, #tpu.memory_space<vmem>>
        %dma_start3A_165 = arith.constant 0 : i32
        %dma_start3A_166 = arith.constant 0 : i32
        %dma_start3A_167 = tpu.memref_slice %arg3[%add3A, %add3A_160, %dma_start3A_165, %dma_start3A_166] : memref<32x153x2x96xi32, #tpu.memory_space<hbm>> -> memref<1x1x2x96xi32, #tpu.memory_space<hbm>>
        %dma_start3A_168 = tpu.memref_squeeze %dma_start3A_167 : memref<1x1x2x96xi32, #tpu.memory_space<hbm>> -> memref<2x96xi32, #tpu.memory_space<hbm>>
        %dma_start3A_169 = tpu.memref_slice %arg9[%rem3A_136] : memref<6x!tpu.dma_semaphore, #tpu.memory_space<semaphore_mem>> -> memref<1x!tpu.dma_semaphore, #tpu.memory_space<semaphore_mem>>
        %dma_start3A_170 = tpu.memref_squeeze %dma_start3A_169 : memref<1x!tpu.dma_semaphore, #tpu.memory_space<semaphore_mem>> -> memref<!tpu.dma_semaphore, #tpu.memory_space<semaphore_mem>>
        %dma_start3A_171 = arith.constant 0 : i32
        %dma_start3A_172 = arith.constant 0 : i32
        %dma_start3A_173 = tpu.memref_slice %arg6[%rem3A_136, %dma_start3A_171, %dma_start3A_172] : memref<6x2x96xi32, #tpu.memory_space<vmem>> -> memref<1x2x96xi32, #tpu.memory_space<vmem>>
        %dma_start3A_174 = tpu.memref_squeeze %dma_start3A_173 : memref<1x2x96xi32, #tpu.memory_space<vmem>> -> memref<2x96xi32, #tpu.memory_space<vmem>>
        %dma_start3A_175 = arith.constant 0 : i32
        %dma_start3A_176 = arith.constant 0 : i32
        %dma_start3A_177 = tpu.memref_slice %arg3[%add3A, %add3A_160, %dma_start3A_175, %dma_start3A_176] : memref<32x153x2x96xi32, #tpu.memory_space<hbm>> -> memref<1x1x2x96xi32, #tpu.memory_space<hbm>>
        %dma_start3A_178 = tpu.memref_squeeze %dma_start3A_177 : memref<1x1x2x96xi32, #tpu.memory_space<hbm>> -> memref<2x96xi32, #tpu.memory_space<hbm>>
        tpu.enqueue_dma source(%dma_start3A_178 : memref<2x96xi32, #tpu.memory_space<hbm>>) target(%dma_start3A_174 : memref<2x96xi32, #tpu.memory_space<vmem>>) target_semaphore(%dma_start3A_170 : memref<!tpu.dma_semaphore, #tpu.memory_space<semaphore_mem>>)
      } else {
      }
      %add3A_153 = arith.constant 2 : i32
      %add3A_154 = arith.addi %while3A_133, %add3A_153 : i32
      %lt3A_155 = arith.cmpi slt, %add3A_154, %select_n3A : i32
      %convert_element_type3A_156 = arith.extui %lt3A_155 : i1 to i32
      %cond3A_157 = arith.constant 0 : i32
      %cond3A_158 = arith.cmpi ne, %convert_element_type3A_156, %cond3A_157 : i32
      scf.if %cond3A_158 {
        %add3A_159 = arith.constant 2 : i32
        %add3A_160 = arith.addi %while3A_133, %add3A_159 : i32
        %rem3A_161 = arith.constant 6 : i32
        %rem3A_162 = arith.remsi %add3A_160, %rem3A_161 : i32
        %add3A_163 = arith.constant 2 : i32
        %add3A_164 = arith.addi %while3A_133, %add3A_163 : i32
        %dma_wait3A_165 = arith.constant 0 : i32
        %dma_wait3A_166 = arith.constant 0 : i32
        %dma_wait3A_167 = tpu.memref_slice %arg6[%rem3A_162, %dma_wait3A_165, %dma_wait3A_166] : memref<6x2x96xi32, #tpu.memory_space<vmem>> -> memref<1x2x96xi32, #tpu.memory_space<vmem>>
        %dma_wait3A_168 = tpu.memref_squeeze %dma_wait3A_167 : memref<1x2x96xi32, #tpu.memory_space<vmem>> -> memref<2x96xi32, #tpu.memory_space<vmem>>
        %dma_wait3A_169 = arith.constant 0 : i32
        %dma_wait3A_170 = arith.constant 0 : i32
        %dma_wait3A_171 = tpu.memref_slice %arg3[%add3A, %add3A_164, %dma_wait3A_169, %dma_wait3A_170] : memref<32x153x2x96xi32, #tpu.memory_space<hbm>> -> memref<1x1x2x96xi32, #tpu.memory_space<hbm>>
        %dma_wait3A_172 = tpu.memref_squeeze %dma_wait3A_171 : memref<1x1x2x96xi32, #tpu.memory_space<hbm>> -> memref<2x96xi32, #tpu.memory_space<hbm>>
        %dma_wait3A_173 = tpu.memref_slice %arg9[%rem3A_162] : memref<6x!tpu.dma_semaphore, #tpu.memory_space<semaphore_mem>> -> memref<1x!tpu.dma_semaphore, #tpu.memory_space<semaphore_mem>>
        %dma_wait3A_174 = tpu.memref_squeeze %dma_wait3A_173 : memref<1x!tpu.dma_semaphore, #tpu.memory_space<semaphore_mem>> -> memref<!tpu.dma_semaphore, #tpu.memory_space<semaphore_mem>>
        %dma_wait3A_175 = arith.constant 0 : i32
        %dma_wait3A_176 = arith.constant 0 : i32
        %dma_wait3A_177 = tpu.memref_slice %arg6[%rem3A_162, %dma_wait3A_175, %dma_wait3A_176] : memref<6x2x96xi32, #tpu.memory_space<vmem>> -> memref<1x2x96xi32, #tpu.memory_space<vmem>>
        %dma_wait3A_178 = tpu.memref_squeeze %dma_wait3A_177 : memref<1x2x96xi32, #tpu.memory_space<vmem>> -> memref<2x96xi32, #tpu.memory_space<vmem>>
        %dma_wait3A_179 = arith.constant 0 : i32
        %dma_wait3A_180 = arith.constant 0 : i32
        %dma_wait3A_181 = tpu.memref_slice %arg3[%add3A, %add3A_164, %dma_wait3A_179, %dma_wait3A_180] : memref<32x153x2x96xi32, #tpu.memory_space<hbm>> -> memref<1x1x2x96xi32, #tpu.memory_space<hbm>>
        %dma_wait3A_182 = tpu.memref_squeeze %dma_wait3A_181 : memref<1x1x2x96xi32, #tpu.memory_space<hbm>> -> memref<2x96xi32, #tpu.memory_space<hbm>>
        tpu.wait_dma2 semaphore(%dma_wait3A_174 : memref<!tpu.dma_semaphore, #tpu.memory_space<semaphore_mem>>) src(%dma_wait3A_182 : memref<2x96xi32, #tpu.memory_space<hbm>>) dst(%dma_wait3A_178 : memref<2x96xi32, #tpu.memory_space<vmem>>)
        %add3A_183 = arith.constant 2 : i32
        %add3A_184 = arith.addi %while3A_133, %add3A_183 : i32
        %rem3A_185 = arith.constant 3 : i32
        %rem3A_186 = arith.remsi %add3A_184, %rem3A_185 : i32
        %add3A_187 = arith.constant 2 : i32
        %add3A_188 = arith.addi %while3A_133, %add3A_187 : i32
        %rem3A_189 = arith.constant 3 : i32
        %rem3A_190 = arith.remsi %add3A_188, %rem3A_189 : i32
        %dma_start3A_191 = arith.constant 0 : i32
        %dma_start3A_192 = arith.constant 0 : i32
        %dma_start3A_193 = arith.constant 0 : i32
        %dma_start3A_194 = tpu.memref_slice %arg7[%rem3A_186, %dma_start3A_192, %dma_start3A_193] : memref<3x96x128xf32, #tpu.memory_space<vmem>> -> memref<1x96x128xf32, #tpu.memory_space<vmem>>
        %dma_start3A_195 = tpu.memref_squeeze %dma_start3A_194 : memref<1x96x128xf32, #tpu.memory_space<vmem>> -> memref<96x128xf32, #tpu.memory_space<vmem>>
        %dma_start3A_196 = arith.constant 0 : i32
        %dma_start3A_197 = tpu.memref_slice %arg6[%rem3A_162, %dma_start3A_191, %dma_start3A_196] : memref<6x2x96xi32, #tpu.memory_space<vmem>> -> memref<1x1x96xi32, #tpu.memory_space<vmem>>
        %dma_start3A_198 = tpu.memref_squeeze %dma_start3A_197 : memref<1x1x96xi32, #tpu.memory_space<vmem>> -> memref<96xi32, #tpu.memory_space<vmem>>
        %dma_start3A_199 = arith.constant 0 : i32
        %dma_start3A_200 = arith.constant 0 : i32
        %dma_start3A_201 = tpu.memref_slice %arg2[%dma_start3A_199, %dma_start3A_200] : memref<10240x128xf32, #tpu.memory_space<hbm>> -> memref<10240x128xf32, #tpu.memory_space<hbm>>
        %dma_start3A_202 = tpu.memref_slice %arg10[%rem3A_190] : memref<3x!tpu.dma_semaphore, #tpu.memory_space<semaphore_mem>> -> memref<1x!tpu.dma_semaphore, #tpu.memory_space<semaphore_mem>>
        %dma_start3A_203 = tpu.memref_squeeze %dma_start3A_202 : memref<1x!tpu.dma_semaphore, #tpu.memory_space<semaphore_mem>> -> memref<!tpu.dma_semaphore, #tpu.memory_space<semaphore_mem>>
        tpu.enqueue_indirect_dma source(%dma_start3A_201 : memref<10240x128xf32, #tpu.memory_space<hbm>>) target(%dma_start3A_195 : memref<96x128xf32, #tpu.memory_space<vmem>>) offsets(%dma_start3A_198 : memref<96xi32, #tpu.memory_space<vmem>>) semaphore(%dma_start3A_203 : memref<!tpu.dma_semaphore, #tpu.memory_space<semaphore_mem>>)
      } else {
      }
    }
    %barrier3A_132 = arith.constant 0 : index
    tpu.barrier barrier_id(%barrier3A_132)
    "tpu.region"() ({
      %run_scoped3A_133 = tpu.sem_alloc : memref<!tpu.dma_semaphore, #tpu.memory_space<semaphore_mem>>
      %dma_start3A_134 = arith.constant 0 : i32
      %dma_start3A_135 = tpu.memref_slice %arg5[%arg0, %mul3A_4, %dma_start3A_134] : memref<2x10240x128xf32, #tpu.memory_space<hbm>> -> memref<1x640x128xf32, #tpu.memory_space<hbm>>
      %dma_start3A_136 = tpu.memref_squeeze %dma_start3A_135 : memref<1x640x128xf32, #tpu.memory_space<hbm>> -> memref<640x128xf32, #tpu.memory_space<hbm>>
      %dma_start3A_137 = arith.constant 0 : i32
      %dma_start3A_138 = tpu.memref_slice %arg8[%mul3A_4, %dma_start3A_137] : memref<10240x128xf32, #tpu.memory_space<vmem_shared>> -> memref<640x128xf32, #tpu.memory_space<vmem_shared>>
      tpu.enqueue_dma source(%dma_start3A_138 : memref<640x128xf32, #tpu.memory_space<vmem_shared>>) target(%dma_start3A_136 : memref<640x128xf32, #tpu.memory_space<hbm>>) target_semaphore(%run_scoped3A_133 : memref<!tpu.dma_semaphore, #tpu.memory_space<semaphore_mem>>)
      %dma_wait3A = arith.constant 0 : i32
      %dma_wait3A_139 = tpu.memref_slice %arg5[%arg0, %mul3A_4, %dma_wait3A] : memref<2x10240x128xf32, #tpu.memory_space<hbm>> -> memref<1x640x128xf32, #tpu.memory_space<hbm>>
      %dma_wait3A_140 = tpu.memref_squeeze %dma_wait3A_139 : memref<1x640x128xf32, #tpu.memory_space<hbm>> -> memref<640x128xf32, #tpu.memory_space<hbm>>
      %dma_wait3A_141 = arith.constant 0 : i32
      %dma_wait3A_142 = tpu.memref_slice %arg8[%mul3A_4, %dma_wait3A_141] : memref<10240x128xf32, #tpu.memory_space<vmem_shared>> -> memref<640x128xf32, #tpu.memory_space<vmem_shared>>
      tpu.wait_dma2 semaphore(%run_scoped3A_133 : memref<!tpu.dma_semaphore, #tpu.memory_space<semaphore_mem>>) src(%dma_wait3A_142 : memref<640x128xf32, #tpu.memory_space<vmem_shared>>) dst(%dma_wait3A_140 : memref<640x128xf32, #tpu.memory_space<hbm>>)
      tpu.yield
    }) : () -> ()
    return
  }
}

#map = affine_map<(d0, d1) -> (0, 0)>
#map1 = affine_map<(d0, d1) -> (0, 0, 0, 0)>
#map2 = affine_map<(d0, d1) -> (0, 0, 0)>
module attributes {stable_mosaic.version = 14 : i64} {
  func.func @_sc_edge_scatter(%arg0: i32, %arg1: i32, %arg2: memref<10240x128xf32, #tpu.memory_space<hbm>>, %arg3: memref<32x153x2x96xi32, #tpu.memory_space<hbm>>, %arg4: memref<10240x128xf32, #tpu.memory_space<hbm>>, %arg5: memref<2x10240x128xf32, #tpu.memory_space<hbm>>, %arg6: memref<6x2x96xi32, #tpu.memory_space<vmem>>, %arg7: memref<3x96x128xf32, #tpu.memory_space<vmem>>, %arg8: memref<10240x128xf32, #tpu.memory_space<vmem_shared>>, %arg9: memref<6x!tpu.dma_semaphore, #tpu.memory_space<semaphore_mem>>, %arg10: memref<3x!tpu.dma_semaphore, #tpu.memory_space<semaphore_mem>>) attributes {dimension_semantics = [#tpu.dimension_semantics<core_parallel>, #tpu.dimension_semantics<subcore_parallel>], iteration_bounds = array<i64: 2, 16>, scalar_prefetch = 0 : i64, scratch_operands = 5 : i64, tpu.core_type = #tpu.core_type<sc_vector_subcore>, window_params = [{transform_indices = #map}, {transform_indices = #map1}, {transform_indices = #map}, {transform_indices = #map2}]} {
    %mul3A = arith.constant 16 : i32
    %mul3A_0 = arith.muli %arg0, %mul3A : i32
    %add3A = arith.addi %mul3A_0, %arg1 : i32
    %eq3A = arith.constant 0 : i32
    %eq3A_1 = arith.cmpi eq, %arg0, %eq3A : i32
    %jit3A = arith.constant 153 : i32
    %jit3A_2 = arith.constant 57 : i32
    %select_n3A = arith.select %eq3A_1, %jit3A, %jit3A_2 : i32
    %mul3A_3 = arith.constant 640 : i32
    %mul3A_4 = arith.muli %arg1, %mul3A_3 : i32
    "tpu.region"() ({
      %run_scoped3A_133 = tpu.sem_alloc : memref<!tpu.dma_semaphore, #tpu.memory_space<semaphore_mem>>
      %dma_start3A_134 = arith.constant 0 : i32
      %dma_start3A_135 = tpu.memref_slice %arg8[%mul3A_4, %dma_start3A_134] : memref<10240x128xf32, #tpu.memory_space<vmem_shared>> -> memref<640x128xf32, #tpu.memory_space<vmem_shared>>
      %dma_start3A_136 = arith.constant 0 : i32
      %dma_start3A_137 = tpu.memref_slice %arg4[%mul3A_4, %dma_start3A_136] : memref<10240x128xf32, #tpu.memory_space<hbm>> -> memref<640x128xf32, #tpu.memory_space<hbm>>
      tpu.enqueue_dma source(%dma_start3A_137 : memref<640x128xf32, #tpu.memory_space<hbm>>) target(%dma_start3A_135 : memref<640x128xf32, #tpu.memory_space<vmem_shared>>) target_semaphore(%run_scoped3A_133 : memref<!tpu.dma_semaphore, #tpu.memory_space<semaphore_mem>>)
      %dma_wait3A = arith.constant 0 : i32
      %dma_wait3A_138 = tpu.memref_slice %arg8[%mul3A_4, %dma_wait3A] : memref<10240x128xf32, #tpu.memory_space<vmem_shared>> -> memref<640x128xf32, #tpu.memory_space<vmem_shared>>
      %dma_wait3A_139 = arith.constant 0 : i32
      %dma_wait3A_140 = tpu.memref_slice %arg4[%mul3A_4, %dma_wait3A_139] : memref<10240x128xf32, #tpu.memory_space<hbm>> -> memref<640x128xf32, #tpu.memory_space<hbm>>
      tpu.wait_dma2 semaphore(%run_scoped3A_133 : memref<!tpu.dma_semaphore, #tpu.memory_space<semaphore_mem>>) src(%dma_wait3A_140 : memref<640x128xf32, #tpu.memory_space<hbm>>) dst(%dma_wait3A_138 : memref<640x128xf32, #tpu.memory_space<vmem_shared>>)
      tpu.yield
    }) : () -> ()
    %barrier3A = arith.constant 0 : index
    tpu.barrier barrier_id(%barrier3A)
    %run_scoped3A = arith.constant 0 : i32
    %run_scoped3A_5 = arith.constant 0 : i32
    "tpu.region"() ({
      %run_scoped3A_133 = tpu.sem_alloc : memref<!tpu.dma_semaphore, #tpu.memory_space<semaphore_mem>>
      %dma_start3A_134 = arith.constant 0 : i32
      %dma_start3A_135 = arith.constant 0 : i32
      %dma_start3A_136 = tpu.memref_slice %arg6[%run_scoped3A_5, %dma_start3A_134, %dma_start3A_135] : memref<6x2x96xi32, #tpu.memory_space<vmem>> -> memref<1x2x96xi32, #tpu.memory_space<vmem>>
      %dma_start3A_137 = tpu.memref_squeeze %dma_start3A_136 : memref<1x2x96xi32, #tpu.memory_space<vmem>> -> memref<2x96xi32, #tpu.memory_space<vmem>>
      %dma_start3A_138 = arith.constant 0 : i32
      %dma_start3A_139 = arith.constant 0 : i32
      %dma_start3A_140 = tpu.memref_slice %arg3[%add3A, %run_scoped3A, %dma_start3A_138, %dma_start3A_139] : memref<32x153x2x96xi32, #tpu.memory_space<hbm>> -> memref<1x1x2x96xi32, #tpu.memory_space<hbm>>
      %dma_start3A_141 = tpu.memref_squeeze %dma_start3A_140 : memref<1x1x2x96xi32, #tpu.memory_space<hbm>> -> memref<2x96xi32, #tpu.memory_space<hbm>>
      %dma_start3A_142 = arith.constant 0 : i32
      %dma_start3A_143 = arith.constant 0 : i32
      %dma_start3A_144 = tpu.memref_slice %arg6[%run_scoped3A_5, %dma_start3A_142, %dma_start3A_143] : memref<6x2x96xi32, #tpu.memory_space<vmem>> -> memref<1x2x96xi32, #tpu.memory_space<vmem>>
      %dma_start3A_145 = tpu.memref_squeeze %dma_start3A_144 : memref<1x2x96xi32, #tpu.memory_space<vmem>> -> memref<2x96xi32, #tpu.memory_space<vmem>>
      %dma_start3A_146 = arith.constant 0 : i32
      %dma_start3A_147 = arith.constant 0 : i32
      %dma_start3A_148 = tpu.memref_slice %arg3[%add3A, %run_scoped3A, %dma_start3A_146, %dma_start3A_147] : memref<32x153x2x96xi32, #tpu.memory_space<hbm>> -> memref<1x1x2x96xi32, #tpu.memory_space<hbm>>
      %dma_start3A_149 = tpu.memref_squeeze %dma_start3A_148 : memref<1x1x2x96xi32, #tpu.memory_space<hbm>> -> memref<2x96xi32, #tpu.memory_space<hbm>>
      tpu.enqueue_dma source(%dma_start3A_149 : memref<2x96xi32, #tpu.memory_space<hbm>>) target(%dma_start3A_145 : memref<2x96xi32, #tpu.memory_space<vmem>>) target_semaphore(%run_scoped3A_133 : memref<!tpu.dma_semaphore, #tpu.memory_space<semaphore_mem>>)
      %dma_wait3A = arith.constant 0 : i32
      %dma_wait3A_150 = arith.constant 0 : i32
      %dma_wait3A_151 = tpu.memref_slice %arg6[%run_scoped3A_5, %dma_wait3A, %dma_wait3A_150] : memref<6x2x96xi32, #tpu.memory_space<vmem>> -> memref<1x2x96xi32, #tpu.memory_space<vmem>>
      %dma_wait3A_152 = tpu.memref_squeeze %dma_wait3A_151 : memref<1x2x96xi32, #tpu.memory_space<vmem>> -> memref<2x96xi32, #tpu.memory_space<vmem>>
      %dma_wait3A_153 = arith.constant 0 : i32
      %dma_wait3A_154 = arith.constant 0 : i32
      %dma_wait3A_155 = tpu.memref_slice %arg3[%add3A, %run_scoped3A, %dma_wait3A_153, %dma_wait3A_154] : memref<32x153x2x96xi32, #tpu.memory_space<hbm>> -> memref<1x1x2x96xi32, #tpu.memory_space<hbm>>
      %dma_wait3A_156 = tpu.memref_squeeze %dma_wait3A_155 : memref<1x1x2x96xi32, #tpu.memory_space<hbm>> -> memref<2x96xi32, #tpu.memory_space<hbm>>
      %dma_wait3A_157 = arith.constant 0 : i32
      %dma_wait3A_158 = arith.constant 0 : i32
      %dma_wait3A_159 = tpu.memref_slice %arg6[%run_scoped3A_5, %dma_wait3A_157, %dma_wait3A_158] : memref<6x2x96xi32, #tpu.memory_space<vmem>> -> memref<1x2x96xi32, #tpu.memory_space<vmem>>
      %dma_wait3A_160 = tpu.memref_squeeze %dma_wait3A_159 : memref<1x2x96xi32, #tpu.memory_space<vmem>> -> memref<2x96xi32, #tpu.memory_space<vmem>>
      %dma_wait3A_161 = arith.constant 0 : i32
      %dma_wait3A_162 = arith.constant 0 : i32
      %dma_wait3A_163 = tpu.memref_slice %arg3[%add3A, %run_scoped3A, %dma_wait3A_161, %dma_wait3A_162] : memref<32x153x2x96xi32, #tpu.memory_space<hbm>> -> memref<1x1x2x96xi32, #tpu.memory_space<hbm>>
      %dma_wait3A_164 = tpu.memref_squeeze %dma_wait3A_163 : memref<1x1x2x96xi32, #tpu.memory_space<hbm>> -> memref<2x96xi32, #tpu.memory_space<hbm>>
      tpu.wait_dma2 semaphore(%run_scoped3A_133 : memref<!tpu.dma_semaphore, #tpu.memory_space<semaphore_mem>>) src(%dma_wait3A_164 : memref<2x96xi32, #tpu.memory_space<hbm>>) dst(%dma_wait3A_160 : memref<2x96xi32, #tpu.memory_space<vmem>>)
      tpu.yield
    }) : () -> ()
    %dma_start3A = arith.constant 0 : i32
    %dma_start3A_6 = arith.constant 0 : i32
    %dma_start3A_7 = arith.constant 0 : i32
    %dma_start3A_8 = arith.constant 0 : i32
    %dma_start3A_9 = arith.constant 0 : i32
    %dma_start3A_10 = arith.constant 0 : i32
    %dma_start3A_11 = tpu.memref_slice %arg7[%dma_start3A_7, %dma_start3A_9, %dma_start3A_10] : memref<3x96x128xf32, #tpu.memory_space<vmem>> -> memref<1x96x128xf32, #tpu.memory_space<vmem>>
    %dma_start3A_12 = tpu.memref_squeeze %dma_start3A_11 : memref<1x96x128xf32, #tpu.memory_space<vmem>> -> memref<96x128xf32, #tpu.memory_space<vmem>>
    %dma_start3A_13 = arith.constant 0 : i32
    %dma_start3A_14 = tpu.memref_slice %arg6[%dma_start3A, %dma_start3A_6, %dma_start3A_13] : memref<6x2x96xi32, #tpu.memory_space<vmem>> -> memref<1x1x96xi32, #tpu.memory_space<vmem>>
    %dma_start3A_15 = tpu.memref_squeeze %dma_start3A_14 : memref<1x1x96xi32, #tpu.memory_space<vmem>> -> memref<96xi32, #tpu.memory_space<vmem>>
    %dma_start3A_16 = arith.constant 0 : i32
    %dma_start3A_17 = arith.constant 0 : i32
    %dma_start3A_18 = tpu.memref_slice %arg2[%dma_start3A_16, %dma_start3A_17] : memref<10240x128xf32, #tpu.memory_space<hbm>> -> memref<10240x128xf32, #tpu.memory_space<hbm>>
    %dma_start3A_19 = tpu.memref_slice %arg10[%dma_start3A_8] : memref<3x!tpu.dma_semaphore, #tpu.memory_space<semaphore_mem>> -> memref<1x!tpu.dma_semaphore, #tpu.memory_space<semaphore_mem>>
    %dma_start3A_20 = tpu.memref_squeeze %dma_start3A_19 : memref<1x!tpu.dma_semaphore, #tpu.memory_space<semaphore_mem>> -> memref<!tpu.dma_semaphore, #tpu.memory_space<semaphore_mem>>
    tpu.enqueue_indirect_dma source(%dma_start3A_18 : memref<10240x128xf32, #tpu.memory_space<hbm>>) target(%dma_start3A_12 : memref<96x128xf32, #tpu.memory_space<vmem>>) offsets(%dma_start3A_15 : memref<96xi32, #tpu.memory_space<vmem>>) semaphore(%dma_start3A_20 : memref<!tpu.dma_semaphore, #tpu.memory_space<semaphore_mem>>)
    %run_scoped3A_21 = arith.constant 1 : i32
    %run_scoped3A_22 = arith.constant 1 : i32
    "tpu.region"() ({
      %run_scoped3A_133 = tpu.sem_alloc : memref<!tpu.dma_semaphore, #tpu.memory_space<semaphore_mem>>
      %dma_start3A_134 = arith.constant 0 : i32
      %dma_start3A_135 = arith.constant 0 : i32
      %dma_start3A_136 = tpu.memref_slice %arg6[%run_scoped3A_22, %dma_start3A_134, %dma_start3A_135] : memref<6x2x96xi32, #tpu.memory_space<vmem>> -> memref<1x2x96xi32, #tpu.memory_space<vmem>>
      %dma_start3A_137 = tpu.memref_squeeze %dma_start3A_136 : memref<1x2x96xi32, #tpu.memory_space<vmem>> -> memref<2x96xi32, #tpu.memory_space<vmem>>
      %dma_start3A_138 = arith.constant 0 : i32
      %dma_start3A_139 = arith.constant 0 : i32
      %dma_start3A_140 = tpu.memref_slice %arg3[%add3A, %run_scoped3A_21, %dma_start3A_138, %dma_start3A_139] : memref<32x153x2x96xi32, #tpu.memory_space<hbm>> -> memref<1x1x2x96xi32, #tpu.memory_space<hbm>>
      %dma_start3A_141 = tpu.memref_squeeze %dma_start3A_140 : memref<1x1x2x96xi32, #tpu.memory_space<hbm>> -> memref<2x96xi32, #tpu.memory_space<hbm>>
      %dma_start3A_142 = arith.constant 0 : i32
      %dma_start3A_143 = arith.constant 0 : i32
      %dma_start3A_144 = tpu.memref_slice %arg6[%run_scoped3A_22, %dma_start3A_142, %dma_start3A_143] : memref<6x2x96xi32, #tpu.memory_space<vmem>> -> memref<1x2x96xi32, #tpu.memory_space<vmem>>
      %dma_start3A_145 = tpu.memref_squeeze %dma_start3A_144 : memref<1x2x96xi32, #tpu.memory_space<vmem>> -> memref<2x96xi32, #tpu.memory_space<vmem>>
      %dma_start3A_146 = arith.constant 0 : i32
      %dma_start3A_147 = arith.constant 0 : i32
      %dma_start3A_148 = tpu.memref_slice %arg3[%add3A, %run_scoped3A_21, %dma_start3A_146, %dma_start3A_147] : memref<32x153x2x96xi32, #tpu.memory_space<hbm>> -> memref<1x1x2x96xi32, #tpu.memory_space<hbm>>
      %dma_start3A_149 = tpu.memref_squeeze %dma_start3A_148 : memref<1x1x2x96xi32, #tpu.memory_space<hbm>> -> memref<2x96xi32, #tpu.memory_space<hbm>>
      tpu.enqueue_dma source(%dma_start3A_149 : memref<2x96xi32, #tpu.memory_space<hbm>>) target(%dma_start3A_145 : memref<2x96xi32, #tpu.memory_space<vmem>>) target_semaphore(%run_scoped3A_133 : memref<!tpu.dma_semaphore, #tpu.memory_space<semaphore_mem>>)
      %dma_wait3A = arith.constant 0 : i32
      %dma_wait3A_150 = arith.constant 0 : i32
      %dma_wait3A_151 = tpu.memref_slice %arg6[%run_scoped3A_22, %dma_wait3A, %dma_wait3A_150] : memref<6x2x96xi32, #tpu.memory_space<vmem>> -> memref<1x2x96xi32, #tpu.memory_space<vmem>>
      %dma_wait3A_152 = tpu.memref_squeeze %dma_wait3A_151 : memref<1x2x96xi32, #tpu.memory_space<vmem>> -> memref<2x96xi32, #tpu.memory_space<vmem>>
      %dma_wait3A_153 = arith.constant 0 : i32
      %dma_wait3A_154 = arith.constant 0 : i32
      %dma_wait3A_155 = tpu.memref_slice %arg3[%add3A, %run_scoped3A_21, %dma_wait3A_153, %dma_wait3A_154] : memref<32x153x2x96xi32, #tpu.memory_space<hbm>> -> memref<1x1x2x96xi32, #tpu.memory_space<hbm>>
      %dma_wait3A_156 = tpu.memref_squeeze %dma_wait3A_155 : memref<1x1x2x96xi32, #tpu.memory_space<hbm>> -> memref<2x96xi32, #tpu.memory_space<hbm>>
      %dma_wait3A_157 = arith.constant 0 : i32
      %dma_wait3A_158 = arith.constant 0 : i32
      %dma_wait3A_159 = tpu.memref_slice %arg6[%run_scoped3A_22, %dma_wait3A_157, %dma_wait3A_158] : memref<6x2x96xi32, #tpu.memory_space<vmem>> -> memref<1x2x96xi32, #tpu.memory_space<vmem>>
      %dma_wait3A_160 = tpu.memref_squeeze %dma_wait3A_159 : memref<1x2x96xi32, #tpu.memory_space<vmem>> -> memref<2x96xi32, #tpu.memory_space<vmem>>
      %dma_wait3A_161 = arith.constant 0 : i32
      %dma_wait3A_162 = arith.constant 0 : i32
      %dma_wait3A_163 = tpu.memref_slice %arg3[%add3A, %run_scoped3A_21, %dma_wait3A_161, %dma_wait3A_162] : memref<32x153x2x96xi32, #tpu.memory_space<hbm>> -> memref<1x1x2x96xi32, #tpu.memory_space<hbm>>
      %dma_wait3A_164 = tpu.memref_squeeze %dma_wait3A_163 : memref<1x1x2x96xi32, #tpu.memory_space<hbm>> -> memref<2x96xi32, #tpu.memory_space<hbm>>
      tpu.wait_dma2 semaphore(%run_scoped3A_133 : memref<!tpu.dma_semaphore, #tpu.memory_space<semaphore_mem>>) src(%dma_wait3A_164 : memref<2x96xi32, #tpu.memory_space<hbm>>) dst(%dma_wait3A_160 : memref<2x96xi32, #tpu.memory_space<vmem>>)
      tpu.yield
    }) : () -> ()
    %dma_start3A_23 = arith.constant 1 : i32
    %dma_start3A_24 = arith.constant 0 : i32
    %dma_start3A_25 = arith.constant 1 : i32
    %dma_start3A_26 = arith.constant 1 : i32
    %dma_start3A_27 = arith.constant 0 : i32
    %dma_start3A_28 = arith.constant 0 : i32
    %dma_start3A_29 = tpu.memref_slice %arg7[%dma_start3A_25, %dma_start3A_27, %dma_start3A_28] : memref<3x96x128xf32, #tpu.memory_space<vmem>> -> memref<1x96x128xf32, #tpu.memory_space<vmem>>
    %dma_start3A_30 = tpu.memref_squeeze %dma_start3A_29 : memref<1x96x128xf32, #tpu.memory_space<vmem>> -> memref<96x128xf32, #tpu.memory_space<vmem>>
    %dma_start3A_31 = arith.constant 0 : i32
    %dma_start3A_32 = tpu.memref_slice %arg6[%dma_start3A_23, %dma_start3A_24, %dma_start3A_31] : memref<6x2x96xi32, #tpu.memory_space<vmem>> -> memref<1x1x96xi32, #tpu.memory_space<vmem>>
    %dma_start3A_33 = tpu.memref_squeeze %dma_start3A_32 : memref<1x1x96xi32, #tpu.memory_space<vmem>> -> memref<96xi32, #tpu.memory_space<vmem>>
    %dma_start3A_34 = arith.constant 0 : i32
    %dma_start3A_35 = arith.constant 0 : i32
    %dma_start3A_36 = tpu.memref_slice %arg2[%dma_start3A_34, %dma_start3A_35] : memref<10240x128xf32, #tpu.memory_space<hbm>> -> memref<10240x128xf32, #tpu.memory_space<hbm>>
    %dma_start3A_37 = tpu.memref_slice %arg10[%dma_start3A_26] : memref<3x!tpu.dma_semaphore, #tpu.memory_space<semaphore_mem>> -> memref<1x!tpu.dma_semaphore, #tpu.memory_space<semaphore_mem>>
    %dma_start3A_38 = tpu.memref_squeeze %dma_start3A_37 : memref<1x!tpu.dma_semaphore, #tpu.memory_space<semaphore_mem>> -> memref<!tpu.dma_semaphore, #tpu.memory_space<semaphore_mem>>
    tpu.enqueue_indirect_dma source(%dma_start3A_36 : memref<10240x128xf32, #tpu.memory_space<hbm>>) target(%dma_start3A_30 : memref<96x128xf32, #tpu.memory_space<vmem>>) offsets(%dma_start3A_33 : memref<96xi32, #tpu.memory_space<vmem>>) semaphore(%dma_start3A_38 : memref<!tpu.dma_semaphore, #tpu.memory_space<semaphore_mem>>)
    %dma_start3A_39 = arith.constant 2 : i32
    %dma_start3A_40 = arith.constant 2 : i32
    %dma_start3A_41 = arith.constant 2 : i32
    %dma_start3A_42 = arith.constant 0 : i32
    %dma_start3A_43 = arith.constant 0 : i32
    %dma_start3A_44 = tpu.memref_slice %arg6[%dma_start3A_40, %dma_start3A_42, %dma_start3A_43] : memref<6x2x96xi32, #tpu.memory_space<vmem>> -> memref<1x2x96xi32, #tpu.memory_space<vmem>>
    %dma_start3A_45 = tpu.memref_squeeze %dma_start3A_44 : memref<1x2x96xi32, #tpu.memory_space<vmem>> -> memref<2x96xi32, #tpu.memory_space<vmem>>
    %dma_start3A_46 = arith.constant 0 : i32
    %dma_start3A_47 = arith.constant 0 : i32
    %dma_start3A_48 = tpu.memref_slice %arg3[%add3A, %dma_start3A_39, %dma_start3A_46, %dma_start3A_47] : memref<32x153x2x96xi32, #tpu.memory_space<hbm>> -> memref<1x1x2x96xi32, #tpu.memory_space<hbm>>
    %dma_start3A_49 = tpu.memref_squeeze %dma_start3A_48 : memref<1x1x2x96xi32, #tpu.memory_space<hbm>> -> memref<2x96xi32, #tpu.memory_space<hbm>>
    %dma_start3A_50 = tpu.memref_slice %arg9[%dma_start3A_41] : memref<6x!tpu.dma_semaphore, #tpu.memory_space<semaphore_mem>> -> memref<1x!tpu.dma_semaphore, #tpu.memory_space<semaphore_mem>>
    %dma_start3A_51 = tpu.memref_squeeze %dma_start3A_50 : memref<1x!tpu.dma_semaphore, #tpu.memory_space<semaphore_mem>> -> memref<!tpu.dma_semaphore, #tpu.memory_space<semaphore_mem>>
    %dma_start3A_52 = arith.constant 0 : i32
    %dma_start3A_53 = arith.constant 0 : i32
    %dma_start3A_54 = tpu.memref_slice %arg6[%dma_start3A_40, %dma_start3A_52, %dma_start3A_53] : memref<6x2x96xi32, #tpu.memory_space<vmem>> -> memref<1x2x96xi32, #tpu.memory_space<vmem>>
    %dma_start3A_55 = tpu.memref_squeeze %dma_start3A_54 : memref<1x2x96xi32, #tpu.memory_space<vmem>> -> memref<2x96xi32, #tpu.memory_space<vmem>>
    %dma_start3A_56 = arith.constant 0 : i32
    %dma_start3A_57 = arith.constant 0 : i32
    %dma_start3A_58 = tpu.memref_slice %arg3[%add3A, %dma_start3A_39, %dma_start3A_56, %dma_start3A_57] : memref<32x153x2x96xi32, #tpu.memory_space<hbm>> -> memref<1x1x2x96xi32, #tpu.memory_space<hbm>>
    %dma_start3A_59 = tpu.memref_squeeze %dma_start3A_58 : memref<1x1x2x96xi32, #tpu.memory_space<hbm>> -> memref<2x96xi32, #tpu.memory_space<hbm>>
    tpu.enqueue_dma source(%dma_start3A_59 : memref<2x96xi32, #tpu.memory_space<hbm>>) target(%dma_start3A_55 : memref<2x96xi32, #tpu.memory_space<vmem>>) target_semaphore(%dma_start3A_51 : memref<!tpu.dma_semaphore, #tpu.memory_space<semaphore_mem>>)
    %dma_start3A_60 = arith.constant 3 : i32
    %dma_start3A_61 = arith.constant 3 : i32
    %dma_start3A_62 = arith.constant 3 : i32
    %dma_start3A_63 = arith.constant 0 : i32
    %dma_start3A_64 = arith.constant 0 : i32
    %dma_start3A_65 = tpu.memref_slice %arg6[%dma_start3A_61, %dma_start3A_63, %dma_start3A_64] : memref<6x2x96xi32, #tpu.memory_space<vmem>> -> memref<1x2x96xi32, #tpu.memory_space<vmem>>
    %dma_start3A_66 = tpu.memref_squeeze %dma_start3A_65 : memref<1x2x96xi32, #tpu.memory_space<vmem>> -> memref<2x96xi32, #tpu.memory_space<vmem>>
    %dma_start3A_67 = arith.constant 0 : i32
    %dma_start3A_68 = arith.constant 0 : i32
    %dma_start3A_69 = tpu.memref_slice %arg3[%add3A, %dma_start3A_60, %dma_start3A_67, %dma_start3A_68] : memref<32x153x2x96xi32, #tpu.memory_space<hbm>> -> memref<1x1x2x96xi32, #tpu.memory_space<hbm>>
    %dma_start3A_70 = tpu.memref_squeeze %dma_start3A_69 : memref<1x1x2x96xi32, #tpu.memory_space<hbm>> -> memref<2x96xi32, #tpu.memory_space<hbm>>
    %dma_start3A_71 = tpu.memref_slice %arg9[%dma_start3A_62] : memref<6x!tpu.dma_semaphore, #tpu.memory_space<semaphore_mem>> -> memref<1x!tpu.dma_semaphore, #tpu.memory_space<semaphore_mem>>
    %dma_start3A_72 = tpu.memref_squeeze %dma_start3A_71 : memref<1x!tpu.dma_semaphore, #tpu.memory_space<semaphore_mem>> -> memref<!tpu.dma_semaphore, #tpu.memory_space<semaphore_mem>>
    %dma_start3A_73 = arith.constant 0 : i32
    %dma_start3A_74 = arith.constant 0 : i32
    %dma_start3A_75 = tpu.memref_slice %arg6[%dma_start3A_61, %dma_start3A_73, %dma_start3A_74] : memref<6x2x96xi32, #tpu.memory_space<vmem>> -> memref<1x2x96xi32, #tpu.memory_space<vmem>>
    %dma_start3A_76 = tpu.memref_squeeze %dma_start3A_75 : memref<1x2x96xi32, #tpu.memory_space<vmem>> -> memref<2x96xi32, #tpu.memory_space<vmem>>
    %dma_start3A_77 = arith.constant 0 : i32
    %dma_start3A_78 = arith.constant 0 : i32
    %dma_start3A_79 = tpu.memref_slice %arg3[%add3A, %dma_start3A_60, %dma_start3A_77, %dma_start3A_78] : memref<32x153x2x96xi32, #tpu.memory_space<hbm>> -> memref<1x1x2x96xi32, #tpu.memory_space<hbm>>
    %dma_start3A_80 = tpu.memref_squeeze %dma_start3A_79 : memref<1x1x2x96xi32, #tpu.memory_space<hbm>> -> memref<2x96xi32, #tpu.memory_space<hbm>>
    tpu.enqueue_dma source(%dma_start3A_80 : memref<2x96xi32, #tpu.memory_space<hbm>>) target(%dma_start3A_76 : memref<2x96xi32, #tpu.memory_space<vmem>>) target_semaphore(%dma_start3A_72 : memref<!tpu.dma_semaphore, #tpu.memory_space<semaphore_mem>>)
    %dma_start3A_81 = arith.constant 4 : i32
    %dma_start3A_82 = arith.constant 4 : i32
    %dma_start3A_83 = arith.constant 4 : i32
    %dma_start3A_84 = arith.constant 0 : i32
    %dma_start3A_85 = arith.constant 0 : i32
    %dma_start3A_86 = tpu.memref_slice %arg6[%dma_start3A_82, %dma_start3A_84, %dma_start3A_85] : memref<6x2x96xi32, #tpu.memory_space<vmem>> -> memref<1x2x96xi32, #tpu.memory_space<vmem>>
    %dma_start3A_87 = tpu.memref_squeeze %dma_start3A_86 : memref<1x2x96xi32, #tpu.memory_space<vmem>> -> memref<2x96xi32, #tpu.memory_space<vmem>>
    %dma_start3A_88 = arith.constant 0 : i32
    %dma_start3A_89 = arith.constant 0 : i32
    %dma_start3A_90 = tpu.memref_slice %arg3[%add3A, %dma_start3A_81, %dma_start3A_88, %dma_start3A_89] : memref<32x153x2x96xi32, #tpu.memory_space<hbm>> -> memref<1x1x2x96xi32, #tpu.memory_space<hbm>>
    %dma_start3A_91 = tpu.memref_squeeze %dma_start3A_90 : memref<1x1x2x96xi32, #tpu.memory_space<hbm>> -> memref<2x96xi32, #tpu.memory_space<hbm>>
    %dma_start3A_92 = tpu.memref_slice %arg9[%dma_start3A_83] : memref<6x!tpu.dma_semaphore, #tpu.memory_space<semaphore_mem>> -> memref<1x!tpu.dma_semaphore, #tpu.memory_space<semaphore_mem>>
    %dma_start3A_93 = tpu.memref_squeeze %dma_start3A_92 : memref<1x!tpu.dma_semaphore, #tpu.memory_space<semaphore_mem>> -> memref<!tpu.dma_semaphore, #tpu.memory_space<semaphore_mem>>
    %dma_start3A_94 = arith.constant 0 : i32
    %dma_start3A_95 = arith.constant 0 : i32
    %dma_start3A_96 = tpu.memref_slice %arg6[%dma_start3A_82, %dma_start3A_94, %dma_start3A_95] : memref<6x2x96xi32, #tpu.memory_space<vmem>> -> memref<1x2x96xi32, #tpu.memory_space<vmem>>
    %dma_start3A_97 = tpu.memref_squeeze %dma_start3A_96 : memref<1x2x96xi32, #tpu.memory_space<vmem>> -> memref<2x96xi32, #tpu.memory_space<vmem>>
    %dma_start3A_98 = arith.constant 0 : i32
    %dma_start3A_99 = arith.constant 0 : i32
    %dma_start3A_100 = tpu.memref_slice %arg3[%add3A, %dma_start3A_81, %dma_start3A_98, %dma_start3A_99] : memref<32x153x2x96xi32, #tpu.memory_space<hbm>> -> memref<1x1x2x96xi32, #tpu.memory_space<hbm>>
    %dma_start3A_101 = tpu.memref_squeeze %dma_start3A_100 : memref<1x1x2x96xi32, #tpu.memory_space<hbm>> -> memref<2x96xi32, #tpu.memory_space<hbm>>
    tpu.enqueue_dma source(%dma_start3A_101 : memref<2x96xi32, #tpu.memory_space<hbm>>) target(%dma_start3A_97 : memref<2x96xi32, #tpu.memory_space<vmem>>) target_semaphore(%dma_start3A_93 : memref<!tpu.dma_semaphore, #tpu.memory_space<semaphore_mem>>)
    %dma_start3A_102 = arith.constant 5 : i32
    %dma_start3A_103 = arith.constant 5 : i32
    %dma_start3A_104 = arith.constant 5 : i32
    %dma_start3A_105 = arith.constant 0 : i32
    %dma_start3A_106 = arith.constant 0 : i32
    %dma_start3A_107 = tpu.memref_slice %arg6[%dma_start3A_103, %dma_start3A_105, %dma_start3A_106] : memref<6x2x96xi32, #tpu.memory_space<vmem>> -> memref<1x2x96xi32, #tpu.memory_space<vmem>>
    %dma_start3A_108 = tpu.memref_squeeze %dma_start3A_107 : memref<1x2x96xi32, #tpu.memory_space<vmem>> -> memref<2x96xi32, #tpu.memory_space<vmem>>
    %dma_start3A_109 = arith.constant 0 : i32
    %dma_start3A_110 = arith.constant 0 : i32
    %dma_start3A_111 = tpu.memref_slice %arg3[%add3A, %dma_start3A_102, %dma_start3A_109, %dma_start3A_110] : memref<32x153x2x96xi32, #tpu.memory_space<hbm>> -> memref<1x1x2x96xi32, #tpu.memory_space<hbm>>
    %dma_start3A_112 = tpu.memref_squeeze %dma_start3A_111 : memref<1x1x2x96xi32, #tpu.memory_space<hbm>> -> memref<2x96xi32, #tpu.memory_space<hbm>>
    %dma_start3A_113 = tpu.memref_slice %arg9[%dma_start3A_104] : memref<6x!tpu.dma_semaphore, #tpu.memory_space<semaphore_mem>> -> memref<1x!tpu.dma_semaphore, #tpu.memory_space<semaphore_mem>>
    %dma_start3A_114 = tpu.memref_squeeze %dma_start3A_113 : memref<1x!tpu.dma_semaphore, #tpu.memory_space<semaphore_mem>> -> memref<!tpu.dma_semaphore, #tpu.memory_space<semaphore_mem>>
    %dma_start3A_115 = arith.constant 0 : i32
    %dma_start3A_116 = arith.constant 0 : i32
    %dma_start3A_117 = tpu.memref_slice %arg6[%dma_start3A_103, %dma_start3A_115, %dma_start3A_116] : memref<6x2x96xi32, #tpu.memory_space<vmem>> -> memref<1x2x96xi32, #tpu.memory_space<vmem>>
    %dma_start3A_118 = tpu.memref_squeeze %dma_start3A_117 : memref<1x2x96xi32, #tpu.memory_space<vmem>> -> memref<2x96xi32, #tpu.memory_space<vmem>>
    %dma_start3A_119 = arith.constant 0 : i32
    %dma_start3A_120 = arith.constant 0 : i32
    %dma_start3A_121 = tpu.memref_slice %arg3[%add3A, %dma_start3A_102, %dma_start3A_119, %dma_start3A_120] : memref<32x153x2x96xi32, #tpu.memory_space<hbm>> -> memref<1x1x2x96xi32, #tpu.memory_space<hbm>>
    %dma_start3A_122 = tpu.memref_squeeze %dma_start3A_121 : memref<1x1x2x96xi32, #tpu.memory_space<hbm>> -> memref<2x96xi32, #tpu.memory_space<hbm>>
    tpu.enqueue_dma source(%dma_start3A_122 : memref<2x96xi32, #tpu.memory_space<hbm>>) target(%dma_start3A_118 : memref<2x96xi32, #tpu.memory_space<vmem>>) target_semaphore(%dma_start3A_114 : memref<!tpu.dma_semaphore, #tpu.memory_space<semaphore_mem>>)
    %while3A = arith.constant 0 : i32
    %while3A_123 = arith.constant 0 : i32
    %while3A_124 = arith.subi %select_n3A, %while3A_123 : i32
    %while3A_125 = arith.addi %while3A_123, %while3A_124 : i32
    %while3A_126 = arith.constant 1 : i32
    %while3A_127 = arith.divsi %while3A_124, %while3A_126 : i32
    %while3A_128 = arith.muli %while3A_127, %while3A_126 : i32
    %while3A_129 = arith.addi %while3A_123, %while3A_128 : i32
    %while3A_130 = arith.constant 1 : i32
    scf.for %while3A_133 = %while3A_123 to %while3A_129 step %while3A_130  : i32 {
      %rem3A = arith.constant 3 : i32
      %rem3A_134 = arith.remsi %while3A_133, %rem3A : i32
      %rem3A_135 = arith.constant 6 : i32
      %rem3A_136 = arith.remsi %while3A_133, %rem3A_135 : i32
      %dma_wait3A = arith.constant 0 : i32
      %dma_wait3A_137 = arith.constant 0 : i32
      %dma_wait3A_138 = arith.constant 0 : i32
      %dma_wait3A_139 = tpu.memref_slice %arg7[%rem3A_134, %dma_wait3A_137, %dma_wait3A_138] : memref<3x96x128xf32, #tpu.memory_space<vmem>> -> memref<1x96x128xf32, #tpu.memory_space<vmem>>
      %dma_wait3A_140 = tpu.memref_squeeze %dma_wait3A_139 : memref<1x96x128xf32, #tpu.memory_space<vmem>> -> memref<96x128xf32, #tpu.memory_space<vmem>>
      %dma_wait3A_141 = arith.constant 0 : i32
      %dma_wait3A_142 = tpu.memref_slice %arg6[%rem3A_136, %dma_wait3A, %dma_wait3A_141] : memref<6x2x96xi32, #tpu.memory_space<vmem>> -> memref<1x1x96xi32, #tpu.memory_space<vmem>>
      %dma_wait3A_143 = tpu.memref_squeeze %dma_wait3A_142 : memref<1x1x96xi32, #tpu.memory_space<vmem>> -> memref<96xi32, #tpu.memory_space<vmem>>
      %dma_wait3A_144 = arith.constant 0 : i32
      %dma_wait3A_145 = arith.constant 0 : i32
      %dma_wait3A_146 = tpu.memref_slice %arg2[%dma_wait3A_144, %dma_wait3A_145] : memref<10240x128xf32, #tpu.memory_space<hbm>> -> memref<10240x128xf32, #tpu.memory_space<hbm>>
      %dma_wait3A_147 = tpu.memref_slice %arg10[%rem3A_134] : memref<3x!tpu.dma_semaphore, #tpu.memory_space<semaphore_mem>> -> memref<1x!tpu.dma_semaphore, #tpu.memory_space<semaphore_mem>>
      %dma_wait3A_148 = tpu.memref_squeeze %dma_wait3A_147 : memref<1x!tpu.dma_semaphore, #tpu.memory_space<semaphore_mem>> -> memref<!tpu.dma_semaphore, #tpu.memory_space<semaphore_mem>>
      tpu.wait_indirect_dma semaphore(%dma_wait3A_148 : memref<!tpu.dma_semaphore, #tpu.memory_space<semaphore_mem>>) src(%dma_wait3A_146 : memref<10240x128xf32, #tpu.memory_space<hbm>>) dst(%dma_wait3A_140 : memref<96x128xf32, #tpu.memory_space<vmem>>)
      %run_scoped3A_149 = arith.constant 1 : i32
      "tpu.region"() ({
        %run_scoped3A_159 = tpu.sem_alloc : memref<!tpu.dma_semaphore, #tpu.memory_space<semaphore_mem>>
        %dma_start3A_160 = arith.constant 0 : i32
        %dma_start3A_161 = arith.constant 0 : i32
        %dma_start3A_162 = tpu.memref_slice %arg7[%rem3A_134, %dma_start3A_160, %dma_start3A_161] : memref<3x96x128xf32, #tpu.memory_space<vmem>> -> memref<1x96x128xf32, #tpu.memory_space<vmem>>
        %dma_start3A_163 = tpu.memref_squeeze %dma_start3A_162 : memref<1x96x128xf32, #tpu.memory_space<vmem>> -> memref<96x128xf32, #tpu.memory_space<vmem>>
        %dma_start3A_164 = arith.constant 0 : i32
        %dma_start3A_165 = tpu.memref_slice %arg6[%rem3A_136, %run_scoped3A_149, %dma_start3A_164] : memref<6x2x96xi32, #tpu.memory_space<vmem>> -> memref<1x1x96xi32, #tpu.memory_space<vmem>>
        %dma_start3A_166 = tpu.memref_squeeze %dma_start3A_165 : memref<1x1x96xi32, #tpu.memory_space<vmem>> -> memref<96xi32, #tpu.memory_space<vmem>>
        %dma_start3A_167 = arith.constant 0 : i32
        %dma_start3A_168 = arith.constant 0 : i32
        %dma_start3A_169 = tpu.memref_slice %arg8[%dma_start3A_167, %dma_start3A_168] : memref<10240x128xf32, #tpu.memory_space<vmem_shared>> -> memref<10240x128xf32, #tpu.memory_space<vmem_shared>>
        tpu.enqueue_indirect_dma source(%dma_start3A_163 : memref<96x128xf32, #tpu.memory_space<vmem>>) target(%dma_start3A_169 : memref<10240x128xf32, #tpu.memory_space<vmem_shared>>) offsets(%dma_start3A_166 : memref<96xi32, #tpu.memory_space<vmem>>) semaphore(%run_scoped3A_159 : memref<!tpu.dma_semaphore, #tpu.memory_space<semaphore_mem>>) {add = true}
        %dma_wait3A_170 = arith.constant 0 : i32
        %dma_wait3A_171 = arith.constant 0 : i32
        %dma_wait3A_172 = tpu.memref_slice %arg7[%rem3A_134, %dma_wait3A_170, %dma_wait3A_171] : memref<3x96x128xf32, #tpu.memory_space<vmem>> -> memref<1x96x128xf32, #tpu.memory_space<vmem>>
        %dma_wait3A_173 = tpu.memref_squeeze %dma_wait3A_172 : memref<1x96x128xf32, #tpu.memory_space<vmem>> -> memref<96x128xf32, #tpu.memory_space<vmem>>
        %dma_wait3A_174 = arith.constant 0 : i32
        %dma_wait3A_175 = tpu.memref_slice %arg6[%rem3A_136, %run_scoped3A_149, %dma_wait3A_174] : memref<6x2x96xi32, #tpu.memory_space<vmem>> -> memref<1x1x96xi32, #tpu.memory_space<vmem>>
        %dma_wait3A_176 = tpu.memref_squeeze %dma_wait3A_175 : memref<1x1x96xi32, #tpu.memory_space<vmem>> -> memref<96xi32, #tpu.memory_space<vmem>>
        %dma_wait3A_177 = arith.constant 0 : i32
        %dma_wait3A_178 = arith.constant 0 : i32
        %dma_wait3A_179 = tpu.memref_slice %arg8[%dma_wait3A_177, %dma_wait3A_178] : memref<10240x128xf32, #tpu.memory_space<vmem_shared>> -> memref<10240x128xf32, #tpu.memory_space<vmem_shared>>
        tpu.wait_indirect_dma semaphore(%run_scoped3A_159 : memref<!tpu.dma_semaphore, #tpu.memory_space<semaphore_mem>>) src(%dma_wait3A_173 : memref<96x128xf32, #tpu.memory_space<vmem>>) dst(%dma_wait3A_179 : memref<10240x128xf32, #tpu.memory_space<vmem_shared>>)
        tpu.yield
      }) : () -> ()
      %add3A_150 = arith.constant 6 : i32
      %add3A_151 = arith.addi %while3A_133, %add3A_150 : i32
      %lt3A = arith.cmpi slt, %add3A_151, %select_n3A : i32
      %convert_element_type3A = arith.extui %lt3A : i1 to i32
      %cond3A = arith.constant 0 : i32
      %cond3A_152 = arith.cmpi ne, %convert_element_type3A, %cond3A : i32
      scf.if %cond3A_152 {
        %add3A_159 = arith.constant 6 : i32
        %add3A_160 = arith.addi %while3A_133, %add3A_159 : i32
        %dma_start3A_161 = arith.constant 0 : i32
        %dma_start3A_162 = arith.constant 0 : i32
        %dma_start3A_163 = tpu.memref_slice %arg6[%rem3A_136, %dma_start3A_161, %dma_start3A_162] : memref<6x2x96xi32, #tpu.memory_space<vmem>> -> memref<1x2x96xi32, #tpu.memory_space<vmem>>
        %dma_start3A_164 = tpu.memref_squeeze %dma_start3A_163 : memref<1x2x96xi32, #tpu.memory_space<vmem>> -> memref<2x96xi32, #tpu.memory_space<vmem>>
        %dma_start3A_165 = arith.constant 0 : i32
        %dma_start3A_166 = arith.constant 0 : i32
        %dma_start3A_167 = tpu.memref_slice %arg3[%add3A, %add3A_160, %dma_start3A_165, %dma_start3A_166] : memref<32x153x2x96xi32, #tpu.memory_space<hbm>> -> memref<1x1x2x96xi32, #tpu.memory_space<hbm>>
        %dma_start3A_168 = tpu.memref_squeeze %dma_start3A_167 : memref<1x1x2x96xi32, #tpu.memory_space<hbm>> -> memref<2x96xi32, #tpu.memory_space<hbm>>
        %dma_start3A_169 = tpu.memref_slice %arg9[%rem3A_136] : memref<6x!tpu.dma_semaphore, #tpu.memory_space<semaphore_mem>> -> memref<1x!tpu.dma_semaphore, #tpu.memory_space<semaphore_mem>>
        %dma_start3A_170 = tpu.memref_squeeze %dma_start3A_169 : memref<1x!tpu.dma_semaphore, #tpu.memory_space<semaphore_mem>> -> memref<!tpu.dma_semaphore, #tpu.memory_space<semaphore_mem>>
        %dma_start3A_171 = arith.constant 0 : i32
        %dma_start3A_172 = arith.constant 0 : i32
        %dma_start3A_173 = tpu.memref_slice %arg6[%rem3A_136, %dma_start3A_171, %dma_start3A_172] : memref<6x2x96xi32, #tpu.memory_space<vmem>> -> memref<1x2x96xi32, #tpu.memory_space<vmem>>
        %dma_start3A_174 = tpu.memref_squeeze %dma_start3A_173 : memref<1x2x96xi32, #tpu.memory_space<vmem>> -> memref<2x96xi32, #tpu.memory_space<vmem>>
        %dma_start3A_175 = arith.constant 0 : i32
        %dma_start3A_176 = arith.constant 0 : i32
        %dma_start3A_177 = tpu.memref_slice %arg3[%add3A, %add3A_160, %dma_start3A_175, %dma_start3A_176] : memref<32x153x2x96xi32, #tpu.memory_space<hbm>> -> memref<1x1x2x96xi32, #tpu.memory_space<hbm>>
        %dma_start3A_178 = tpu.memref_squeeze %dma_start3A_177 : memref<1x1x2x96xi32, #tpu.memory_space<hbm>> -> memref<2x96xi32, #tpu.memory_space<hbm>>
        tpu.enqueue_dma source(%dma_start3A_178 : memref<2x96xi32, #tpu.memory_space<hbm>>) target(%dma_start3A_174 : memref<2x96xi32, #tpu.memory_space<vmem>>) target_semaphore(%dma_start3A_170 : memref<!tpu.dma_semaphore, #tpu.memory_space<semaphore_mem>>)
      } else {
      }
      %add3A_153 = arith.constant 2 : i32
      %add3A_154 = arith.addi %while3A_133, %add3A_153 : i32
      %lt3A_155 = arith.cmpi slt, %add3A_154, %select_n3A : i32
      %convert_element_type3A_156 = arith.extui %lt3A_155 : i1 to i32
      %cond3A_157 = arith.constant 0 : i32
      %cond3A_158 = arith.cmpi ne, %convert_element_type3A_156, %cond3A_157 : i32
      scf.if %cond3A_158 {
        %add3A_159 = arith.constant 2 : i32
        %add3A_160 = arith.addi %while3A_133, %add3A_159 : i32
        %rem3A_161 = arith.constant 6 : i32
        %rem3A_162 = arith.remsi %add3A_160, %rem3A_161 : i32
        %add3A_163 = arith.constant 2 : i32
        %add3A_164 = arith.addi %while3A_133, %add3A_163 : i32
        %dma_wait3A_165 = arith.constant 0 : i32
        %dma_wait3A_166 = arith.constant 0 : i32
        %dma_wait3A_167 = tpu.memref_slice %arg6[%rem3A_162, %dma_wait3A_165, %dma_wait3A_166] : memref<6x2x96xi32, #tpu.memory_space<vmem>> -> memref<1x2x96xi32, #tpu.memory_space<vmem>>
        %dma_wait3A_168 = tpu.memref_squeeze %dma_wait3A_167 : memref<1x2x96xi32, #tpu.memory_space<vmem>> -> memref<2x96xi32, #tpu.memory_space<vmem>>
        %dma_wait3A_169 = arith.constant 0 : i32
        %dma_wait3A_170 = arith.constant 0 : i32
        %dma_wait3A_171 = tpu.memref_slice %arg3[%add3A, %add3A_164, %dma_wait3A_169, %dma_wait3A_170] : memref<32x153x2x96xi32, #tpu.memory_space<hbm>> -> memref<1x1x2x96xi32, #tpu.memory_space<hbm>>
        %dma_wait3A_172 = tpu.memref_squeeze %dma_wait3A_171 : memref<1x1x2x96xi32, #tpu.memory_space<hbm>> -> memref<2x96xi32, #tpu.memory_space<hbm>>
        %dma_wait3A_173 = tpu.memref_slice %arg9[%rem3A_162] : memref<6x!tpu.dma_semaphore, #tpu.memory_space<semaphore_mem>> -> memref<1x!tpu.dma_semaphore, #tpu.memory_space<semaphore_mem>>
        %dma_wait3A_174 = tpu.memref_squeeze %dma_wait3A_173 : memref<1x!tpu.dma_semaphore, #tpu.memory_space<semaphore_mem>> -> memref<!tpu.dma_semaphore, #tpu.memory_space<semaphore_mem>>
        %dma_wait3A_175 = arith.constant 0 : i32
        %dma_wait3A_176 = arith.constant 0 : i32
        %dma_wait3A_177 = tpu.memref_slice %arg6[%rem3A_162, %dma_wait3A_175, %dma_wait3A_176] : memref<6x2x96xi32, #tpu.memory_space<vmem>> -> memref<1x2x96xi32, #tpu.memory_space<vmem>>
        %dma_wait3A_178 = tpu.memref_squeeze %dma_wait3A_177 : memref<1x2x96xi32, #tpu.memory_space<vmem>> -> memref<2x96xi32, #tpu.memory_space<vmem>>
        %dma_wait3A_179 = arith.constant 0 : i32
        %dma_wait3A_180 = arith.constant 0 : i32
        %dma_wait3A_181 = tpu.memref_slice %arg3[%add3A, %add3A_164, %dma_wait3A_179, %dma_wait3A_180] : memref<32x153x2x96xi32, #tpu.memory_space<hbm>> -> memref<1x1x2x96xi32, #tpu.memory_space<hbm>>
        %dma_wait3A_182 = tpu.memref_squeeze %dma_wait3A_181 : memref<1x1x2x96xi32, #tpu.memory_space<hbm>> -> memref<2x96xi32, #tpu.memory_space<hbm>>
        tpu.wait_dma2 semaphore(%dma_wait3A_174 : memref<!tpu.dma_semaphore, #tpu.memory_space<semaphore_mem>>) src(%dma_wait3A_182 : memref<2x96xi32, #tpu.memory_space<hbm>>) dst(%dma_wait3A_178 : memref<2x96xi32, #tpu.memory_space<vmem>>)
        %add3A_183 = arith.constant 2 : i32
        %add3A_184 = arith.addi %while3A_133, %add3A_183 : i32
        %rem3A_185 = arith.constant 3 : i32
        %rem3A_186 = arith.remsi %add3A_184, %rem3A_185 : i32
        %add3A_187 = arith.constant 2 : i32
        %add3A_188 = arith.addi %while3A_133, %add3A_187 : i32
        %rem3A_189 = arith.constant 3 : i32
        %rem3A_190 = arith.remsi %add3A_188, %rem3A_189 : i32
        %dma_start3A_191 = arith.constant 0 : i32
        %dma_start3A_192 = arith.constant 0 : i32
        %dma_start3A_193 = arith.constant 0 : i32
        %dma_start3A_194 = tpu.memref_slice %arg7[%rem3A_186, %dma_start3A_192, %dma_start3A_193] : memref<3x96x128xf32, #tpu.memory_space<vmem>> -> memref<1x96x128xf32, #tpu.memory_space<vmem>>
        %dma_start3A_195 = tpu.memref_squeeze %dma_start3A_194 : memref<1x96x128xf32, #tpu.memory_space<vmem>> -> memref<96x128xf32, #tpu.memory_space<vmem>>
        %dma_start3A_196 = arith.constant 0 : i32
        %dma_start3A_197 = tpu.memref_slice %arg6[%rem3A_162, %dma_start3A_191, %dma_start3A_196] : memref<6x2x96xi32, #tpu.memory_space<vmem>> -> memref<1x1x96xi32, #tpu.memory_space<vmem>>
        %dma_start3A_198 = tpu.memref_squeeze %dma_start3A_197 : memref<1x1x96xi32, #tpu.memory_space<vmem>> -> memref<96xi32, #tpu.memory_space<vmem>>
        %dma_start3A_199 = arith.constant 0 : i32
        %dma_start3A_200 = arith.constant 0 : i32
        %dma_start3A_201 = tpu.memref_slice %arg2[%dma_start3A_199, %dma_start3A_200] : memref<10240x128xf32, #tpu.memory_space<hbm>> -> memref<10240x128xf32, #tpu.memory_space<hbm>>
        %dma_start3A_202 = tpu.memref_slice %arg10[%rem3A_190] : memref<3x!tpu.dma_semaphore, #tpu.memory_space<semaphore_mem>> -> memref<1x!tpu.dma_semaphore, #tpu.memory_space<semaphore_mem>>
        %dma_start3A_203 = tpu.memref_squeeze %dma_start3A_202 : memref<1x!tpu.dma_semaphore, #tpu.memory_space<semaphore_mem>> -> memref<!tpu.dma_semaphore, #tpu.memory_space<semaphore_mem>>
        tpu.enqueue_indirect_dma source(%dma_start3A_201 : memref<10240x128xf32, #tpu.memory_space<hbm>>) target(%dma_start3A_195 : memref<96x128xf32, #tpu.memory_space<vmem>>) offsets(%dma_start3A_198 : memref<96xi32, #tpu.memory_space<vmem>>) semaphore(%dma_start3A_203 : memref<!tpu.dma_semaphore, #tpu.memory_space<semaphore_mem>>)
      } else {
      }
    }
    %while3A_131 = arith.constant 1 : i32
    scf.for %while3A_133 = %while3A_129 to %while3A_125 step %while3A_131  : i32 {
      %rem3A = arith.constant 3 : i32
      %rem3A_134 = arith.remsi %while3A_133, %rem3A : i32
      %rem3A_135 = arith.constant 6 : i32
      %rem3A_136 = arith.remsi %while3A_133, %rem3A_135 : i32
      %dma_wait3A = arith.constant 0 : i32
      %dma_wait3A_137 = arith.constant 0 : i32
      %dma_wait3A_138 = arith.constant 0 : i32
      %dma_wait3A_139 = tpu.memref_slice %arg7[%rem3A_134, %dma_wait3A_137, %dma_wait3A_138] : memref<3x96x128xf32, #tpu.memory_space<vmem>> -> memref<1x96x128xf32, #tpu.memory_space<vmem>>
      %dma_wait3A_140 = tpu.memref_squeeze %dma_wait3A_139 : memref<1x96x128xf32, #tpu.memory_space<vmem>> -> memref<96x128xf32, #tpu.memory_space<vmem>>
      %dma_wait3A_141 = arith.constant 0 : i32
      %dma_wait3A_142 = tpu.memref_slice %arg6[%rem3A_136, %dma_wait3A, %dma_wait3A_141] : memref<6x2x96xi32, #tpu.memory_space<vmem>> -> memref<1x1x96xi32, #tpu.memory_space<vmem>>
      %dma_wait3A_143 = tpu.memref_squeeze %dma_wait3A_142 : memref<1x1x96xi32, #tpu.memory_space<vmem>> -> memref<96xi32, #tpu.memory_space<vmem>>
      %dma_wait3A_144 = arith.constant 0 : i32
      %dma_wait3A_145 = arith.constant 0 : i32
      %dma_wait3A_146 = tpu.memref_slice %arg2[%dma_wait3A_144, %dma_wait3A_145] : memref<10240x128xf32, #tpu.memory_space<hbm>> -> memref<10240x128xf32, #tpu.memory_space<hbm>>
      %dma_wait3A_147 = tpu.memref_slice %arg10[%rem3A_134] : memref<3x!tpu.dma_semaphore, #tpu.memory_space<semaphore_mem>> -> memref<1x!tpu.dma_semaphore, #tpu.memory_space<semaphore_mem>>
      %dma_wait3A_148 = tpu.memref_squeeze %dma_wait3A_147 : memref<1x!tpu.dma_semaphore, #tpu.memory_space<semaphore_mem>> -> memref<!tpu.dma_semaphore, #tpu.memory_space<semaphore_mem>>
      tpu.wait_indirect_dma semaphore(%dma_wait3A_148 : memref<!tpu.dma_semaphore, #tpu.memory_space<semaphore_mem>>) src(%dma_wait3A_146 : memref<10240x128xf32, #tpu.memory_space<hbm>>) dst(%dma_wait3A_140 : memref<96x128xf32, #tpu.memory_space<vmem>>)
      %run_scoped3A_149 = arith.constant 1 : i32
      "tpu.region"() ({
        %run_scoped3A_159 = tpu.sem_alloc : memref<!tpu.dma_semaphore, #tpu.memory_space<semaphore_mem>>
        %dma_start3A_160 = arith.constant 0 : i32
        %dma_start3A_161 = arith.constant 0 : i32
        %dma_start3A_162 = tpu.memref_slice %arg7[%rem3A_134, %dma_start3A_160, %dma_start3A_161] : memref<3x96x128xf32, #tpu.memory_space<vmem>> -> memref<1x96x128xf32, #tpu.memory_space<vmem>>
        %dma_start3A_163 = tpu.memref_squeeze %dma_start3A_162 : memref<1x96x128xf32, #tpu.memory_space<vmem>> -> memref<96x128xf32, #tpu.memory_space<vmem>>
        %dma_start3A_164 = arith.constant 0 : i32
        %dma_start3A_165 = tpu.memref_slice %arg6[%rem3A_136, %run_scoped3A_149, %dma_start3A_164] : memref<6x2x96xi32, #tpu.memory_space<vmem>> -> memref<1x1x96xi32, #tpu.memory_space<vmem>>
        %dma_start3A_166 = tpu.memref_squeeze %dma_start3A_165 : memref<1x1x96xi32, #tpu.memory_space<vmem>> -> memref<96xi32, #tpu.memory_space<vmem>>
        %dma_start3A_167 = arith.constant 0 : i32
        %dma_start3A_168 = arith.constant 0 : i32
        %dma_start3A_169 = tpu.memref_slice %arg8[%dma_start3A_167, %dma_start3A_168] : memref<10240x128xf32, #tpu.memory_space<vmem_shared>> -> memref<10240x128xf32, #tpu.memory_space<vmem_shared>>
        tpu.enqueue_indirect_dma source(%dma_start3A_163 : memref<96x128xf32, #tpu.memory_space<vmem>>) target(%dma_start3A_169 : memref<10240x128xf32, #tpu.memory_space<vmem_shared>>) offsets(%dma_start3A_166 : memref<96xi32, #tpu.memory_space<vmem>>) semaphore(%run_scoped3A_159 : memref<!tpu.dma_semaphore, #tpu.memory_space<semaphore_mem>>) {add = true}
        %dma_wait3A_170 = arith.constant 0 : i32
        %dma_wait3A_171 = arith.constant 0 : i32
        %dma_wait3A_172 = tpu.memref_slice %arg7[%rem3A_134, %dma_wait3A_170, %dma_wait3A_171] : memref<3x96x128xf32, #tpu.memory_space<vmem>> -> memref<1x96x128xf32, #tpu.memory_space<vmem>>
        %dma_wait3A_173 = tpu.memref_squeeze %dma_wait3A_172 : memref<1x96x128xf32, #tpu.memory_space<vmem>> -> memref<96x128xf32, #tpu.memory_space<vmem>>
        %dma_wait3A_174 = arith.constant 0 : i32
        %dma_wait3A_175 = tpu.memref_slice %arg6[%rem3A_136, %run_scoped3A_149, %dma_wait3A_174] : memref<6x2x96xi32, #tpu.memory_space<vmem>> -> memref<1x1x96xi32, #tpu.memory_space<vmem>>
        %dma_wait3A_176 = tpu.memref_squeeze %dma_wait3A_175 : memref<1x1x96xi32, #tpu.memory_space<vmem>> -> memref<96xi32, #tpu.memory_space<vmem>>
        %dma_wait3A_177 = arith.constant 0 : i32
        %dma_wait3A_178 = arith.constant 0 : i32
        %dma_wait3A_179 = tpu.memref_slice %arg8[%dma_wait3A_177, %dma_wait3A_178] : memref<10240x128xf32, #tpu.memory_space<vmem_shared>> -> memref<10240x128xf32, #tpu.memory_space<vmem_shared>>
        tpu.wait_indirect_dma semaphore(%run_scoped3A_159 : memref<!tpu.dma_semaphore, #tpu.memory_space<semaphore_mem>>) src(%dma_wait3A_173 : memref<96x128xf32, #tpu.memory_space<vmem>>) dst(%dma_wait3A_179 : memref<10240x128xf32, #tpu.memory_space<vmem_shared>>)
        tpu.yield
      }) : () -> ()
      %add3A_150 = arith.constant 6 : i32
      %add3A_151 = arith.addi %while3A_133, %add3A_150 : i32
      %lt3A = arith.cmpi slt, %add3A_151, %select_n3A : i32
      %convert_element_type3A = arith.extui %lt3A : i1 to i32
      %cond3A = arith.constant 0 : i32
      %cond3A_152 = arith.cmpi ne, %convert_element_type3A, %cond3A : i32
      scf.if %cond3A_152 {
        %add3A_159 = arith.constant 6 : i32
        %add3A_160 = arith.addi %while3A_133, %add3A_159 : i32
        %dma_start3A_161 = arith.constant 0 : i32
        %dma_start3A_162 = arith.constant 0 : i32
        %dma_start3A_163 = tpu.memref_slice %arg6[%rem3A_136, %dma_start3A_161, %dma_start3A_162] : memref<6x2x96xi32, #tpu.memory_space<vmem>> -> memref<1x2x96xi32, #tpu.memory_space<vmem>>
        %dma_start3A_164 = tpu.memref_squeeze %dma_start3A_163 : memref<1x2x96xi32, #tpu.memory_space<vmem>> -> memref<2x96xi32, #tpu.memory_space<vmem>>
        %dma_start3A_165 = arith.constant 0 : i32
        %dma_start3A_166 = arith.constant 0 : i32
        %dma_start3A_167 = tpu.memref_slice %arg3[%add3A, %add3A_160, %dma_start3A_165, %dma_start3A_166] : memref<32x153x2x96xi32, #tpu.memory_space<hbm>> -> memref<1x1x2x96xi32, #tpu.memory_space<hbm>>
        %dma_start3A_168 = tpu.memref_squeeze %dma_start3A_167 : memref<1x1x2x96xi32, #tpu.memory_space<hbm>> -> memref<2x96xi32, #tpu.memory_space<hbm>>
        %dma_start3A_169 = tpu.memref_slice %arg9[%rem3A_136] : memref<6x!tpu.dma_semaphore, #tpu.memory_space<semaphore_mem>> -> memref<1x!tpu.dma_semaphore, #tpu.memory_space<semaphore_mem>>
        %dma_start3A_170 = tpu.memref_squeeze %dma_start3A_169 : memref<1x!tpu.dma_semaphore, #tpu.memory_space<semaphore_mem>> -> memref<!tpu.dma_semaphore, #tpu.memory_space<semaphore_mem>>
        %dma_start3A_171 = arith.constant 0 : i32
        %dma_start3A_172 = arith.constant 0 : i32
        %dma_start3A_173 = tpu.memref_slice %arg6[%rem3A_136, %dma_start3A_171, %dma_start3A_172] : memref<6x2x96xi32, #tpu.memory_space<vmem>> -> memref<1x2x96xi32, #tpu.memory_space<vmem>>
        %dma_start3A_174 = tpu.memref_squeeze %dma_start3A_173 : memref<1x2x96xi32, #tpu.memory_space<vmem>> -> memref<2x96xi32, #tpu.memory_space<vmem>>
        %dma_start3A_175 = arith.constant 0 : i32
        %dma_start3A_176 = arith.constant 0 : i32
        %dma_start3A_177 = tpu.memref_slice %arg3[%add3A, %add3A_160, %dma_start3A_175, %dma_start3A_176] : memref<32x153x2x96xi32, #tpu.memory_space<hbm>> -> memref<1x1x2x96xi32, #tpu.memory_space<hbm>>
        %dma_start3A_178 = tpu.memref_squeeze %dma_start3A_177 : memref<1x1x2x96xi32, #tpu.memory_space<hbm>> -> memref<2x96xi32, #tpu.memory_space<hbm>>
        tpu.enqueue_dma source(%dma_start3A_178 : memref<2x96xi32, #tpu.memory_space<hbm>>) target(%dma_start3A_174 : memref<2x96xi32, #tpu.memory_space<vmem>>) target_semaphore(%dma_start3A_170 : memref<!tpu.dma_semaphore, #tpu.memory_space<semaphore_mem>>)
      } else {
      }
      %add3A_153 = arith.constant 2 : i32
      %add3A_154 = arith.addi %while3A_133, %add3A_153 : i32
      %lt3A_155 = arith.cmpi slt, %add3A_154, %select_n3A : i32
      %convert_element_type3A_156 = arith.extui %lt3A_155 : i1 to i32
      %cond3A_157 = arith.constant 0 : i32
      %cond3A_158 = arith.cmpi ne, %convert_element_type3A_156, %cond3A_157 : i32
      scf.if %cond3A_158 {
        %add3A_159 = arith.constant 2 : i32
        %add3A_160 = arith.addi %while3A_133, %add3A_159 : i32
        %rem3A_161 = arith.constant 6 : i32
        %rem3A_162 = arith.remsi %add3A_160, %rem3A_161 : i32
        %add3A_163 = arith.constant 2 : i32
        %add3A_164 = arith.addi %while3A_133, %add3A_163 : i32
        %dma_wait3A_165 = arith.constant 0 : i32
        %dma_wait3A_166 = arith.constant 0 : i32
        %dma_wait3A_167 = tpu.memref_slice %arg6[%rem3A_162, %dma_wait3A_165, %dma_wait3A_166] : memref<6x2x96xi32, #tpu.memory_space<vmem>> -> memref<1x2x96xi32, #tpu.memory_space<vmem>>
        %dma_wait3A_168 = tpu.memref_squeeze %dma_wait3A_167 : memref<1x2x96xi32, #tpu.memory_space<vmem>> -> memref<2x96xi32, #tpu.memory_space<vmem>>
        %dma_wait3A_169 = arith.constant 0 : i32
        %dma_wait3A_170 = arith.constant 0 : i32
        %dma_wait3A_171 = tpu.memref_slice %arg3[%add3A, %add3A_164, %dma_wait3A_169, %dma_wait3A_170] : memref<32x153x2x96xi32, #tpu.memory_space<hbm>> -> memref<1x1x2x96xi32, #tpu.memory_space<hbm>>
        %dma_wait3A_172 = tpu.memref_squeeze %dma_wait3A_171 : memref<1x1x2x96xi32, #tpu.memory_space<hbm>> -> memref<2x96xi32, #tpu.memory_space<hbm>>
        %dma_wait3A_173 = tpu.memref_slice %arg9[%rem3A_162] : memref<6x!tpu.dma_semaphore, #tpu.memory_space<semaphore_mem>> -> memref<1x!tpu.dma_semaphore, #tpu.memory_space<semaphore_mem>>
        %dma_wait3A_174 = tpu.memref_squeeze %dma_wait3A_173 : memref<1x!tpu.dma_semaphore, #tpu.memory_space<semaphore_mem>> -> memref<!tpu.dma_semaphore, #tpu.memory_space<semaphore_mem>>
        %dma_wait3A_175 = arith.constant 0 : i32
        %dma_wait3A_176 = arith.constant 0 : i32
        %dma_wait3A_177 = tpu.memref_slice %arg6[%rem3A_162, %dma_wait3A_175, %dma_wait3A_176] : memref<6x2x96xi32, #tpu.memory_space<vmem>> -> memref<1x2x96xi32, #tpu.memory_space<vmem>>
        %dma_wait3A_178 = tpu.memref_squeeze %dma_wait3A_177 : memref<1x2x96xi32, #tpu.memory_space<vmem>> -> memref<2x96xi32, #tpu.memory_space<vmem>>
        %dma_wait3A_179 = arith.constant 0 : i32
        %dma_wait3A_180 = arith.constant 0 : i32
        %dma_wait3A_181 = tpu.memref_slice %arg3[%add3A, %add3A_164, %dma_wait3A_179, %dma_wait3A_180] : memref<32x153x2x96xi32, #tpu.memory_space<hbm>> -> memref<1x1x2x96xi32, #tpu.memory_space<hbm>>
        %dma_wait3A_182 = tpu.memref_squeeze %dma_wait3A_181 : memref<1x1x2x96xi32, #tpu.memory_space<hbm>> -> memref<2x96xi32, #tpu.memory_space<hbm>>
        tpu.wait_dma2 semaphore(%dma_wait3A_174 : memref<!tpu.dma_semaphore, #tpu.memory_space<semaphore_mem>>) src(%dma_wait3A_182 : memref<2x96xi32, #tpu.memory_space<hbm>>) dst(%dma_wait3A_178 : memref<2x96xi32, #tpu.memory_space<vmem>>)
        %add3A_183 = arith.constant 2 : i32
        %add3A_184 = arith.addi %while3A_133, %add3A_183 : i32
        %rem3A_185 = arith.constant 3 : i32
        %rem3A_186 = arith.remsi %add3A_184, %rem3A_185 : i32
        %add3A_187 = arith.constant 2 : i32
        %add3A_188 = arith.addi %while3A_133, %add3A_187 : i32
        %rem3A_189 = arith.constant 3 : i32
        %rem3A_190 = arith.remsi %add3A_188, %rem3A_189 : i32
        %dma_start3A_191 = arith.constant 0 : i32
        %dma_start3A_192 = arith.constant 0 : i32
        %dma_start3A_193 = arith.constant 0 : i32
        %dma_start3A_194 = tpu.memref_slice %arg7[%rem3A_186, %dma_start3A_192, %dma_start3A_193] : memref<3x96x128xf32, #tpu.memory_space<vmem>> -> memref<1x96x128xf32, #tpu.memory_space<vmem>>
        %dma_start3A_195 = tpu.memref_squeeze %dma_start3A_194 : memref<1x96x128xf32, #tpu.memory_space<vmem>> -> memref<96x128xf32, #tpu.memory_space<vmem>>
        %dma_start3A_196 = arith.constant 0 : i32
        %dma_start3A_197 = tpu.memref_slice %arg6[%rem3A_162, %dma_start3A_191, %dma_start3A_196] : memref<6x2x96xi32, #tpu.memory_space<vmem>> -> memref<1x1x96xi32, #tpu.memory_space<vmem>>
        %dma_start3A_198 = tpu.memref_squeeze %dma_start3A_197 : memref<1x1x96xi32, #tpu.memory_space<vmem>> -> memref<96xi32, #tpu.memory_space<vmem>>
        %dma_start3A_199 = arith.constant 0 : i32
        %dma_start3A_200 = arith.constant 0 : i32
        %dma_start3A_201 = tpu.memref_slice %arg2[%dma_start3A_199, %dma_start3A_200] : memref<10240x128xf32, #tpu.memory_space<hbm>> -> memref<10240x128xf32, #tpu.memory_space<hbm>>
        %dma_start3A_202 = tpu.memref_slice %arg10[%rem3A_190] : memref<3x!tpu.dma_semaphore, #tpu.memory_space<semaphore_mem>> -> memref<1x!tpu.dma_semaphore, #tpu.memory_space<semaphore_mem>>
        %dma_start3A_203 = tpu.memref_squeeze %dma_start3A_202 : memref<1x!tpu.dma_semaphore, #tpu.memory_space<semaphore_mem>> -> memref<!tpu.dma_semaphore, #tpu.memory_space<semaphore_mem>>
        tpu.enqueue_indirect_dma source(%dma_start3A_201 : memref<10240x128xf32, #tpu.memory_space<hbm>>) target(%dma_start3A_195 : memref<96x128xf32, #tpu.memory_space<vmem>>) offsets(%dma_start3A_198 : memref<96xi32, #tpu.memory_space<vmem>>) semaphore(%dma_start3A_203 : memref<!tpu.dma_semaphore, #tpu.memory_space<semaphore_mem>>)
      } else {
      }
    }
    %barrier3A_132 = arith.constant 0 : index
    tpu.barrier barrier_id(%barrier3A_132)
    "tpu.region"() ({
      %run_scoped3A_133 = tpu.sem_alloc : memref<!tpu.dma_semaphore, #tpu.memory_space<semaphore_mem>>
      %dma_start3A_134 = arith.constant 0 : i32
      %dma_start3A_135 = tpu.memref_slice %arg5[%arg0, %mul3A_4, %dma_start3A_134] : memref<2x10240x128xf32, #tpu.memory_space<hbm>> -> memref<1x640x128xf32, #tpu.memory_space<hbm>>
      %dma_start3A_136 = tpu.memref_squeeze %dma_start3A_135 : memref<1x640x128xf32, #tpu.memory_space<hbm>> -> memref<640x128xf32, #tpu.memory_space<hbm>>
      %dma_start3A_137 = arith.constant 0 : i32
      %dma_start3A_138 = tpu.memref_slice %arg8[%mul3A_4, %dma_start3A_137] : memref<10240x128xf32, #tpu.memory_space<vmem_shared>> -> memref<640x128xf32, #tpu.memory_space<vmem_shared>>
      tpu.enqueue_dma source(%dma_start3A_138 : memref<640x128xf32, #tpu.memory_space<vmem_shared>>) target(%dma_start3A_136 : memref<640x128xf32, #tpu.memory_space<hbm>>) target_semaphore(%run_scoped3A_133 : memref<!tpu.dma_semaphore, #tpu.memory_space<semaphore_mem>>)
      %dma_wait3A = arith.constant 0 : i32
      %dma_wait3A_139 = tpu.memref_slice %arg5[%arg0, %mul3A_4, %dma_wait3A] : memref<2x10240x128xf32, #tpu.memory_space<hbm>> -> memref<1x640x128xf32, #tpu.memory_space<hbm>>
      %dma_wait3A_140 = tpu.memref_squeeze %dma_wait3A_139 : memref<1x640x128xf32, #tpu.memory_space<hbm>> -> memref<640x128xf32, #tpu.memory_space<hbm>>
      %dma_wait3A_141 = arith.constant 0 : i32
      %dma_wait3A_142 = tpu.memref_slice %arg8[%mul3A_4, %dma_wait3A_141] : memref<10240x128xf32, #tpu.memory_space<vmem_shared>> -> memref<640x128xf32, #tpu.memory_space<vmem_shared>>
      tpu.wait_dma2 semaphore(%run_scoped3A_133 : memref<!tpu.dma_semaphore, #tpu.memory_space<semaphore_mem>>) src(%dma_wait3A_142 : memref<640x128xf32, #tpu.memory_space<vmem_shared>>) dst(%dma_wait3A_140 : memref<640x128xf32, #tpu.memory_space<hbm>>)
      tpu.yield
    }) : () -> ()
    return
  }
}

module attributes {stable_mosaic.version = 14 : i64} {
  func.func @_tc_scale_matmul_body(%arg0: i32, %arg1: memref<1024x128xf32, #tpu.memory_space<vmem>>, %arg2: memref<128x128xf32, #tpu.memory_space<vmem>>, %arg3: memref<2x1024x128xf32, #tpu.memory_space<vmem>>, %arg4: memref<1024x128xf32, #tpu.memory_space<vmem>>) attributes {dimension_semantics = [#tpu.dimension_semantics<arbitrary>], iteration_bounds = array<i64: 10>, scalar_prefetch = 0 : i64, scratch_operands = 0 : i64, tpu.core_type = #tpu.core_type<tc>, window_params = [{transform_indices = @transform_0, window_bounds = array<i64: 1024, 128>}, {pipeline_mode = #tpu.pipeline_mode<synchronous>, transform_indices = @transform_1, window_bounds = array<i64: 128, 128>}, {transform_indices = @transform_2, window_bounds = array<i64: 2, 1024, 128>}, {transform_indices = @transform_3, window_bounds = array<i64: 1024, 128>}]} {
    %get3A = arith.constant 0 : index
    %get3A_0 = arith.constant 0 : index
    %get3A_1 = arith.constant 0 : index
    %get3A_2 = vector.load %arg3[%get3A, %get3A_0, %get3A_1] : memref<2x1024x128xf32, #tpu.memory_space<vmem>>, vector<2x1024x128xf32>
    %slice3A = vector.extract_strided_slice %get3A_2 {offsets = [0, 0, 0], sizes = [1, 1024, 1], strides = [1, 1, 1]} : vector<2x1024x128xf32> to vector<1x1024x1xf32>
    %squeeze3A = vector.shape_cast %slice3A : vector<1x1024x1xf32> to vector<1024x1xf32>
    %slice3A_3 = vector.extract_strided_slice %get3A_2 {offsets = [1, 0, 0], sizes = [1, 1024, 1], strides = [1, 1, 1]} : vector<2x1024x128xf32> to vector<1x1024x1xf32>
    %squeeze3A_4 = vector.shape_cast %slice3A_3 : vector<1x1024x1xf32> to vector<1024x1xf32>
    %add3A = arith.addf %squeeze3A, %squeeze3A_4 : vector<1024x1xf32>
    %add3A_5 = arith.constant 1.000000e+00 : f32
    %add3A_6 = vector.broadcast %add3A_5 : f32 to vector<1024x1xf32>
    %add3A_7 = arith.addf %add3A, %add3A_6 : vector<1024x1xf32>
    %rsqrt3A = math.rsqrt %add3A_7 : vector<1024x1xf32>
    %get3A_8 = arith.constant 0 : index
    %get3A_9 = arith.constant 0 : index
    %get3A_10 = vector.load %arg1[%get3A_8, %get3A_9] : memref<1024x128xf32, #tpu.memory_space<vmem>>, vector<1024x128xf32>
    %get3A_11 = arith.constant 0 : index
    %get3A_12 = arith.constant 0 : index
    %get3A_13 = vector.load %arg2[%get3A_11, %get3A_12] : memref<128x128xf32, #tpu.memory_space<vmem>>, vector<128x128xf32>
    %dot_general3A = arith.constant dense<0.000000e+00> : vector<1024x128xf32>
    %dot_general3A_14 = tpu.matmul %get3A_10, %get3A_13, %dot_general3A {dimension_numbers = #tpu.dot_dimension_numbers<[1], [0], [0], [1], [0, 0, 1, 1], [], []>, transpose_lhs_hint = false} : vector<1024x128xf32>, vector<128x128xf32>, vector<1024x128xf32> -> vector<1024x128xf32>
    %mul3A = vector.broadcast %rsqrt3A : vector<1024x1xf32> to vector<1024x128xf32>
    %mul3A_15 = arith.mulf %mul3A, %dot_general3A_14 : vector<1024x128xf32>
    %swap3A = arith.constant 0 : index
    %swap3A_16 = arith.constant 0 : index
    %swap3A_17 = vector.load %arg4[%swap3A, %swap3A_16] : memref<1024x128xf32, #tpu.memory_space<vmem>>, vector<1024x128xf32>
    tpu.vector_store %arg4[%swap3A, %swap3A_16], %mul3A_15 {strides = array<i32>} : memref<1024x128xf32, #tpu.memory_space<vmem>>, vector<1024x128xf32>,
    return
  }
  func.func @transform_0(%arg0: i32) -> (i32, i32) {
    %c0_i32 = arith.constant 0 : i32
    %c0_i32_0 = arith.constant 0 : i32
    return %arg0, %c0_i32 : i32, i32
  }
  func.func @transform_1(%arg0: i32) -> (i32, i32) {
    %c0_i32 = arith.constant 0 : i32
    %c0_i32_0 = arith.constant 0 : i32
    %c0_i32_1 = arith.constant 0 : i32
    return %c0_i32, %c0_i32_0 : i32, i32
  }
  func.func @transform_2(%arg0: i32) -> (i32, i32, i32) {
    %c0_i32 = arith.constant 0 : i32
    %c0_i32_0 = arith.constant 0 : i32
    %c0_i32_1 = arith.constant 0 : i32
    return %c0_i32, %arg0, %c0_i32_0 : i32, i32, i32
  }
  func.func @transform_3(%arg0: i32) -> (i32, i32) {
    %c0_i32 = arith.constant 0 : i32
    %c0_i32_0 = arith.constant 0 : i32
    return %arg0, %c0_i32 : i32, i32
  }
}

module attributes {stable_mosaic.version = 14 : i64} {
  func.func @_tc_mid_body(%arg0: i32, %arg1: memref<2x1024x128xf32, #tpu.memory_space<vmem>>, %arg2: memref<1024x128xf32, #tpu.memory_space<vmem>>, %arg3: memref<2x1024x128xf32, #tpu.memory_space<vmem>>, %arg4: memref<1x128xf32, #tpu.memory_space<vmem>>, %arg5: memref<128x128xf32, #tpu.memory_space<vmem>>, %arg6: memref<1024x128xf32, #tpu.memory_space<vmem>>) attributes {dimension_semantics = [#tpu.dimension_semantics<arbitrary>], iteration_bounds = array<i64: 10>, scalar_prefetch = 0 : i64, scratch_operands = 0 : i64, tpu.core_type = #tpu.core_type<tc>, window_params = [{transform_indices = @transform_0, window_bounds = array<i64: 2, 1024, 128>}, {transform_indices = @transform_1, window_bounds = array<i64: 1024, 128>}, {transform_indices = @transform_2, window_bounds = array<i64: 2, 1024, 128>}, {pipeline_mode = #tpu.pipeline_mode<synchronous>, transform_indices = @transform_3, window_bounds = array<i64: 1, 128>}, {pipeline_mode = #tpu.pipeline_mode<synchronous>, transform_indices = @transform_4, window_bounds = array<i64: 128, 128>}, {transform_indices = @transform_5, window_bounds = array<i64: 1024, 128>}]} {
    %get3A = arith.constant 0 : index
    %get3A_0 = arith.constant 0 : index
    %get3A_1 = arith.constant 0 : index
    %get3A_2 = vector.load %arg3[%get3A, %get3A_0, %get3A_1] : memref<2x1024x128xf32, #tpu.memory_space<vmem>>, vector<2x1024x128xf32>
    %slice3A = vector.extract_strided_slice %get3A_2 {offsets = [0, 0, 0], sizes = [1, 1024, 1], strides = [1, 1, 1]} : vector<2x1024x128xf32> to vector<1x1024x1xf32>
    %squeeze3A = vector.shape_cast %slice3A : vector<1x1024x1xf32> to vector<1024x1xf32>
    %slice3A_3 = vector.extract_strided_slice %get3A_2 {offsets = [1, 0, 0], sizes = [1, 1024, 1], strides = [1, 1, 1]} : vector<2x1024x128xf32> to vector<1x1024x1xf32>
    %squeeze3A_4 = vector.shape_cast %slice3A_3 : vector<1x1024x1xf32> to vector<1024x1xf32>
    %add3A = arith.addf %squeeze3A, %squeeze3A_4 : vector<1024x1xf32>
    %add3A_5 = arith.constant 1.000000e+00 : f32
    %add3A_6 = vector.broadcast %add3A_5 : f32 to vector<1024x1xf32>
    %add3A_7 = arith.addf %add3A, %add3A_6 : vector<1024x1xf32>
    %rsqrt3A = math.rsqrt %add3A_7 : vector<1024x1xf32>
    %get3A_8 = arith.constant 0 : index
    %get3A_9 = arith.constant 0 : index
    %get3A_10 = arith.constant 0 : index
    %get3A_11 = vector.load %arg1[%get3A_8, %get3A_9, %get3A_10] : memref<2x1024x128xf32, #tpu.memory_space<vmem>>, vector<1x1024x128xf32>
    %get3A_12 = vector.shape_cast %get3A_11 : vector<1x1024x128xf32> to vector<1024x128xf32>
    %get3A_13 = arith.constant 1 : index
    %get3A_14 = arith.constant 0 : index
    %get3A_15 = arith.constant 0 : index
    %get3A_16 = vector.load %arg1[%get3A_13, %get3A_14, %get3A_15] : memref<2x1024x128xf32, #tpu.memory_space<vmem>>, vector<1x1024x128xf32>
    %get3A_17 = vector.shape_cast %get3A_16 : vector<1x1024x128xf32> to vector<1024x128xf32>
    %add3A_18 = arith.addf %get3A_12, %get3A_17 : vector<1024x128xf32>
    %get3A_19 = arith.constant 0 : index
    %get3A_20 = arith.constant 0 : index
    %get3A_21 = vector.load %arg2[%get3A_19, %get3A_20] : memref<1024x128xf32, #tpu.memory_space<vmem>>, vector<1024x128xf32>
    %add3A_22 = arith.addf %add3A_18, %get3A_21 : vector<1024x128xf32>
    %mul3A = vector.broadcast %rsqrt3A : vector<1024x1xf32> to vector<1024x128xf32>
    %mul3A_23 = arith.mulf %mul3A, %add3A_22 : vector<1024x128xf32>
    %get3A_24 = arith.constant 0 : index
    %get3A_25 = arith.constant 0 : index
    %get3A_26 = vector.load %arg4[%get3A_24, %get3A_25] : memref<1x128xf32, #tpu.memory_space<vmem>>, vector<1x128xf32>
    %add3A_27 = vector.broadcast %get3A_26 : vector<1x128xf32> to vector<1024x128xf32>
    %add3A_28 = arith.addf %mul3A_23, %add3A_27 : vector<1024x128xf32>
    %max3A = arith.constant 0.000000e+00 : f32
    %max3A_29 = vector.broadcast %max3A : f32 to vector<1024x128xf32>
    %max3A_30 = arith.maximumf %add3A_28, %max3A_29 : vector<1024x128xf32>
    %get3A_31 = arith.constant 0 : index
    %get3A_32 = arith.constant 0 : index
    %get3A_33 = vector.load %arg5[%get3A_31, %get3A_32] : memref<128x128xf32, #tpu.memory_space<vmem>>, vector<128x128xf32>
    %dot_general3A = arith.constant dense<0.000000e+00> : vector<1024x128xf32>
    %dot_general3A_34 = tpu.matmul %max3A_30, %get3A_33, %dot_general3A {dimension_numbers = #tpu.dot_dimension_numbers<[1], [0], [0], [1], [0, 0, 1, 1], [], []>, transpose_lhs_hint = false} : vector<1024x128xf32>, vector<128x128xf32>, vector<1024x128xf32> -> vector<1024x128xf32>
    %mul3A_35 = vector.broadcast %rsqrt3A : vector<1024x1xf32> to vector<1024x128xf32>
    %mul3A_36 = arith.mulf %mul3A_35, %dot_general3A_34 : vector<1024x128xf32>
    %swap3A = arith.constant 0 : index
    %swap3A_37 = arith.constant 0 : index
    %swap3A_38 = vector.load %arg6[%swap3A, %swap3A_37] : memref<1024x128xf32, #tpu.memory_space<vmem>>, vector<1024x128xf32>
    tpu.vector_store %arg6[%swap3A, %swap3A_37], %mul3A_36 {strides = array<i32>} : memref<1024x128xf32, #tpu.memory_space<vmem>>, vector<1024x128xf32>,
    return
  }
  func.func @transform_0(%arg0: i32) -> (i32, i32, i32) {
    %c0_i32 = arith.constant 0 : i32
    %c0_i32_0 = arith.constant 0 : i32
    %c0_i32_1 = arith.constant 0 : i32
    return %c0_i32, %arg0, %c0_i32_0 : i32, i32, i32
  }
  func.func @transform_1(%arg0: i32) -> (i32, i32) {
    %c0_i32 = arith.constant 0 : i32
    %c0_i32_0 = arith.constant 0 : i32
    return %arg0, %c0_i32 : i32, i32
  }
  func.func @transform_2(%arg0: i32) -> (i32, i32, i32) {
    %c0_i32 = arith.constant 0 : i32
    %c0_i32_0 = arith.constant 0 : i32
    %c0_i32_1 = arith.constant 0 : i32
    return %c0_i32, %arg0, %c0_i32_0 : i32, i32, i32
  }
  func.func @transform_3(%arg0: i32) -> (i32, i32) {
    %c0_i32 = arith.constant 0 : i32
    %c0_i32_0 = arith.constant 0 : i32
    %c0_i32_1 = arith.constant 0 : i32
    return %c0_i32, %c0_i32_0 : i32, i32
  }
  func.func @transform_4(%arg0: i32) -> (i32, i32) {
    %c0_i32 = arith.constant 0 : i32
    %c0_i32_0 = arith.constant 0 : i32
    %c0_i32_1 = arith.constant 0 : i32
    return %c0_i32, %c0_i32_0 : i32, i32
  }
  func.func @transform_5(%arg0: i32) -> (i32, i32) {
    %c0_i32 = arith.constant 0 : i32
    %c0_i32_0 = arith.constant 0 : i32
    return %arg0, %c0_i32 : i32, i32
  }
}

module attributes {stable_mosaic.version = 14 : i64} {
  func.func @_tc_final_body(%arg0: i32, %arg1: memref<2x1024x128xf32, #tpu.memory_space<vmem>>, %arg2: memref<1024x128xf32, #tpu.memory_space<vmem>>, %arg3: memref<2x1024x128xf32, #tpu.memory_space<vmem>>, %arg4: memref<1x128xf32, #tpu.memory_space<vmem>>, %arg5: memref<1024x128xf32, #tpu.memory_space<vmem>>) attributes {dimension_semantics = [#tpu.dimension_semantics<arbitrary>], iteration_bounds = array<i64: 10>, scalar_prefetch = 0 : i64, scratch_operands = 0 : i64, tpu.core_type = #tpu.core_type<tc>, window_params = [{transform_indices = @transform_0, window_bounds = array<i64: 2, 1024, 128>}, {transform_indices = @transform_1, window_bounds = array<i64: 1024, 128>}, {transform_indices = @transform_2, window_bounds = array<i64: 2, 1024, 128>}, {pipeline_mode = #tpu.pipeline_mode<synchronous>, transform_indices = @transform_3, window_bounds = array<i64: 1, 128>}, {transform_indices = @transform_4, window_bounds = array<i64: 1024, 128>}]} {
    %get3A = arith.constant 0 : index
    %get3A_0 = arith.constant 0 : index
    %get3A_1 = arith.constant 0 : index
    %get3A_2 = vector.load %arg3[%get3A, %get3A_0, %get3A_1] : memref<2x1024x128xf32, #tpu.memory_space<vmem>>, vector<2x1024x128xf32>
    %slice3A = vector.extract_strided_slice %get3A_2 {offsets = [0, 0, 0], sizes = [1, 1024, 1], strides = [1, 1, 1]} : vector<2x1024x128xf32> to vector<1x1024x1xf32>
    %squeeze3A = vector.shape_cast %slice3A : vector<1x1024x1xf32> to vector<1024x1xf32>
    %slice3A_3 = vector.extract_strided_slice %get3A_2 {offsets = [1, 0, 0], sizes = [1, 1024, 1], strides = [1, 1, 1]} : vector<2x1024x128xf32> to vector<1x1024x1xf32>
    %squeeze3A_4 = vector.shape_cast %slice3A_3 : vector<1x1024x1xf32> to vector<1024x1xf32>
    %add3A = arith.addf %squeeze3A, %squeeze3A_4 : vector<1024x1xf32>
    %add3A_5 = arith.constant 1.000000e+00 : f32
    %add3A_6 = vector.broadcast %add3A_5 : f32 to vector<1024x1xf32>
    %add3A_7 = arith.addf %add3A, %add3A_6 : vector<1024x1xf32>
    %rsqrt3A = math.rsqrt %add3A_7 : vector<1024x1xf32>
    %get3A_8 = arith.constant 0 : index
    %get3A_9 = arith.constant 0 : index
    %get3A_10 = arith.constant 0 : index
    %get3A_11 = vector.load %arg1[%get3A_8, %get3A_9, %get3A_10] : memref<2x1024x128xf32, #tpu.memory_space<vmem>>, vector<1x1024x128xf32>
    %get3A_12 = vector.shape_cast %get3A_11 : vector<1x1024x128xf32> to vector<1024x128xf32>
    %get3A_13 = arith.constant 1 : index
    %get3A_14 = arith.constant 0 : index
    %get3A_15 = arith.constant 0 : index
    %get3A_16 = vector.load %arg1[%get3A_13, %get3A_14, %get3A_15] : memref<2x1024x128xf32, #tpu.memory_space<vmem>>, vector<1x1024x128xf32>
    %get3A_17 = vector.shape_cast %get3A_16 : vector<1x1024x128xf32> to vector<1024x128xf32>
    %add3A_18 = arith.addf %get3A_12, %get3A_17 : vector<1024x128xf32>
    %get3A_19 = arith.constant 0 : index
    %get3A_20 = arith.constant 0 : index
    %get3A_21 = vector.load %arg2[%get3A_19, %get3A_20] : memref<1024x128xf32, #tpu.memory_space<vmem>>, vector<1024x128xf32>
    %add3A_22 = arith.addf %add3A_18, %get3A_21 : vector<1024x128xf32>
    %mul3A = vector.broadcast %rsqrt3A : vector<1024x1xf32> to vector<1024x128xf32>
    %mul3A_23 = arith.mulf %mul3A, %add3A_22 : vector<1024x128xf32>
    %get3A_24 = arith.constant 0 : index
    %get3A_25 = arith.constant 0 : index
    %get3A_26 = vector.load %arg4[%get3A_24, %get3A_25] : memref<1x128xf32, #tpu.memory_space<vmem>>, vector<1x128xf32>
    %add3A_27 = vector.broadcast %get3A_26 : vector<1x128xf32> to vector<1024x128xf32>
    %add3A_28 = arith.addf %mul3A_23, %add3A_27 : vector<1024x128xf32>
    %swap3A = arith.constant 0 : index
    %swap3A_29 = arith.constant 0 : index
    %swap3A_30 = vector.load %arg5[%swap3A, %swap3A_29] : memref<1024x128xf32, #tpu.memory_space<vmem>>, vector<1024x128xf32>
    tpu.vector_store %arg5[%swap3A, %swap3A_29], %add3A_28 {strides = array<i32>} : memref<1024x128xf32, #tpu.memory_space<vmem>>, vector<1024x128xf32>,
    return
  }
  func.func @transform_0(%arg0: i32) -> (i32, i32, i32) {
    %c0_i32 = arith.constant 0 : i32
    %c0_i32_0 = arith.constant 0 : i32
    %c0_i32_1 = arith.constant 0 : i32
    return %c0_i32, %arg0, %c0_i32_0 : i32, i32, i32
  }
  func.func @transform_1(%arg0: i32) -> (i32, i32) {
    %c0_i32 = arith.constant 0 : i32
    %c0_i32_0 = arith.constant 0 : i32
    return %arg0, %c0_i32 : i32, i32
  }
  func.func @transform_2(%arg0: i32) -> (i32, i32, i32) {
    %c0_i32 = arith.constant 0 : i32
    %c0_i32_0 = arith.constant 0 : i32
    %c0_i32_1 = arith.constant 0 : i32
    return %c0_i32, %arg0, %c0_i32_0 : i32, i32, i32
  }
  func.func @transform_3(%arg0: i32) -> (i32, i32) {
    %c0_i32 = arith.constant 0 : i32
    %c0_i32_0 = arith.constant 0 : i32
    %c0_i32_1 = arith.constant 0 : i32
    return %c0_i32, %c0_i32_0 : i32, i32
  }
  func.func @transform_4(%arg0: i32) -> (i32, i32) {
    %c0_i32 = arith.constant 0 : i32
    %c0_i32_0 = arith.constant 0 : i32
    return %arg0, %c0_i32 : i32, i32
  }
}

</mosaic_0001>

<sc_bundles>
// kernel: kernel.11.cloned.1.call-start
scs
__scs_entry_jumppad:
0x0: {  	(pc) =	sbr.rel $0x88, $3  }
0x1: {  	(tag) =	ssettag $0x0;
	lr =	simm.s32 $0x1  }
0x2: {  	[smem:$0x3F9B] =	sst lr;
	_ =	strace $0xD0000000  }
0x3: {  	_ = 	snop  }
0x4: {  	_ = 	snop  }
0x5: {  	_ = 	snop  }
0x6: {  	_ = 	snop  }
0x7: {  	_ = 	snop  }
__scs_overlays_trampoline_lowered:
0x8: {  	[smem:$0x3FAA] =	sst s0  }
0x9: {  	[smem:$0x3FAB] =	sst s1  }
0xa: {  	[smem:$0x3FAC] =	sst s2  }
0xb: {  	[smem:$0x3FAD] =	sst s3  }
0xc: {  	[smem:$0x3FAE] =	sst s4  }
0xd: {  	[smem:$0x3FAF] =	sst s5  }
0xe: {  	[smem:$0x3FB0] =	sst s6  }
0xf: {  	[smem:$0x3FB1] =	sst s7  }
0x10: {  	[smem:$0x3FB2] =	sst s8  }
0x11: {  	[smem:$0x3FB3] =	sst s9;
	s0 =	simm.s32 @!p0 $0x0  }
0x12: {  	s1 =	sld [smem:$0x3F99];
	s0 =	simm.s32 @p0 $0x1  }
0x13: {  	[smem:$0x3FB4] =	sst s0;
	s0 =	simm.s32 @!p1 $0x0  }
0x14: {  	s2 =	sld [smem:$0x3F98];
	s0 =	simm.s32 @p1 $0x1  }
0x15: {  	[smem:$0x3FB5] =	sst s0;
	s0 =	simm.s32 @!p2 $0x0  }
0x16: {  	s3 =	sld [smem:$0x3FDB];
	s0 =	simm.s32 @p2 $0x1  }
0x17: {  	s4 =	simm.s32 $0x1BF5;
	[smem:$0x3FB7] =	sst s0  }
0x18: {  	s0 =	sld [smem:$0x3F9A];
	_ =	swait.ge [sflag:s4], $0x0  }
0x19: {  	s7 =	sld [smem:$0x3F9B]  }
0x1a: {  	s8 =	sadd.s32 $0xFFFFE003, lr  }
0x1b: {  	s9 =	sadd.s32 $0xFFFFFEF7, lr;
	s5 =	simm.s32 $0xFFFFFFFF;
	p2 =	slt.u32 s8, $0xFFFFF086  }
0x1c: {  	p1 =	slt.u32 s9, $0xF7A;
	s5 =	simm.s32 @!p2 $0x0  }
0x1d: {  	s5 =	simm.s32 @p1 $0x1;
	p0 =	seq.s32 s7, s2  }
0x1e: {  	s7 =	smul.u32 @!p0 $0xF7A, s2;
	p2 =	seq.s32 @!p0 s5, $0x0  }
0x1f: {  	s9 =	smul.u32 $0xF7A, s1;
	s8 =	simm.s32 @!p0 $0x1BF5;
	p2 =	por !p2, p0  }
0x20: {  	[sflag:s8] =	ssyncset.s32 @!p0 $0xFFFFF086;
	s6 =	sadd.s32 @!p0 s3, s7;
	s7 =	simm.s32 @!p0 $0x108  }
0x21: {  	s3 =	sadd.s32 s3, s9;
	s6 =	sadd.s32 @!p0 $0x88, s6;
	s7 =	simm.s32 @p2 $0x1082  }
0x22: {  	[simem:s7], [sflag:s8] =	dma.local @!p0 [hbm:s6], $0xF7A  }
0x23: {  	s9 =	sor.u32 $0xD0000000, s2;
	s6 =	simm.s32 $0x108;
	_ =	swait.ge @!p0 [sflag:s8], $0x0  }
0x24: {  	s3 =	sadd.s32 $0x88, s3;
	s6 =	simm.s32 @!p1 $0x1082;
	[sflag:s4] =	ssyncset.s32 $0xFFFFF086  }
0x25: {  	[simem:s6], [sflag:s4] =	dma.local [hbm:s3], $0xF7A  }
0x26: {  	[smem:$0x3F9B] =	sst s1;
	(tag) =	ssettag s2;
	_ =	strace s9  }
0x27: {  	s1 =	sld [smem:$0x3FAB]  }
0x28: {  	s2 =	sld [smem:$0x3FAC]  }
0x29: {  	s4 =	sld [smem:$0x3FAE]  }
0x2a: {  	p0 =	seq.s32 s5, $0x0;
	s5 =	sld [smem:$0x3FAF]  }
0x2b: {  	s6 =	sld [smem:$0x3FB0]  }
0x2c: {  	s7 =	sld [smem:$0x3FB1]  }
0x2d: {  	s3 =	simm.s32 $0x108;
	s8 =	sld [smem:$0x3FB2]  }
0x2e: {  	s3 =	simm.s32 @!p0 $0x1082;
	s9 =	sld [smem:$0x3FB3]  }
0x2f: {  	lr =	sadd.s32 s0, s3;
	s0 =	sld [smem:$0x3FAA]  }
0x30: {  	s3 =	sld [smem:$0x3FAD]  }
0x31: {  	[smem:$0x3FB6] =	sst s10  }
0x32: {  	s10 =	sld [smem:$0x3FB4];
	_ =	sdelay $0x3  }
0x33: {  	p0 =	seq.s32 s10, $0x1;
	s10 =	sld [smem:$0x3FB6];
	_ =	sdelay $0x3  }
0x34: {  	[smem:$0x3FB6] =	sst s10  }
0x35: {  	s10 =	sld [smem:$0x3FB5];
	_ =	sdelay $0x3  }
0x36: {  	p1 =	seq.s32 s10, $0x1;
	s10 =	sld [smem:$0x3FB6];
	_ =	sdelay $0x3  }
0x37: {  	[smem:$0x3FB6] =	sst s10  }
0x38: {  	s10 =	sld [smem:$0x3FB7]  }
0x39: {  	_ = 	snop;
	(pc) =	sbr.ind lr, $3  }
0x3a: {  	_ = 	snop  }
0x3b: {  	_ = 	snop  }
0x3c: {  	p2 =	seq.s32 s10, $0x1;
	s10 =	sld [smem:$0x3FB6]  }
0x3d: {  	_ =	shalt  }
0x3e: {  	_ =	shalt  }
0x3f: {  	_ =	shalt  }
0x40: {  	_ =	shalt  }
0x41: {  	_ =	shalt  }
0x42: {  	_ =	shalt  }
0x43: {  	_ =	shalt  }
0x44: {  	_ =	shalt  }
0x45: {  	_ =	shalt  }
0x46: {  	_ =	shalt  }
0x47: {  	_ =	shalt  }
0x48: {  	_ =	shalt  }
0x49: {  	_ =	shalt  }
0x4a: {  	_ =	shalt  }
0x4b: {  	_ =	shalt  }
0x4c: {  	_ =	shalt  }
0x4d: {  	_ =	shalt  }
0x4e: {  	_ =	shalt  }
0x4f: {  	_ =	shalt  }
0x50: {  	_ =	shalt  }
0x51: {  	_ =	shalt  }
0x52: {  	_ =	shalt  }
0x53: {  	_ =	shalt  }
0x54: {  	_ =	shalt  }
0x55: {  	_ =	shalt  }
0x56: {  	_ =	shalt  }
0x57: {  	_ =	shalt  }
0x58: {  	_ =	shalt  }
0x59: {  	_ =	shalt  }
0x5a: {  	_ =	shalt  }
0x5b: {  	_ =	shalt  }
0x5c: {  	_ =	shalt  }
0x5d: {  	_ =	shalt  }
0x5e: {  	_ =	shalt  }
0x5f: {  	_ =	shalt  }
0x60: {  	_ =	shalt  }
0x61: {  	_ =	shalt  }
0x62: {  	_ =	shalt  }
0x63: {  	_ =	shalt  }
0x64: {  	_ =	shalt  }
0x65: {  	_ =	shalt  }
0x66: {  	_ =	shalt  }
0x67: {  	_ =	shalt  }
0x68: {  	_ =	shalt  }
0x69: {  	_ =	shalt  }
0x6a: {  	_ =	shalt  }
0x6b: {  	_ =	shalt  }
0x6c: {  	_ =	shalt  }
0x6d: {  	_ =	shalt  }
0x6e: {  	_ =	shalt  }
0x6f: {  	_ =	shalt  }
0x70: {  	_ =	shalt  }
0x71: {  	_ =	shalt  }
0x72: {  	_ =	shalt  }
0x73: {  	_ =	shalt  }
0x74: {  	_ =	shalt  }
0x75: {  	_ =	shalt  }
0x76: {  	_ =	shalt  }
0x77: {  	_ =	shalt  }
0x78: {  	_ =	shalt  }
0x79: {  	_ =	shalt  }
0x7a: {  	_ =	shalt  }
0x7b: {  	_ =	shalt  }
0x7c: {  	_ =	shalt  }
0x7d: {  	_ =	shalt  }
0x7e: {  	_ =	shalt  }
0x7f: {  	_ =	shalt  }
0x80: {  	_ =	shalt  }
0x81: {  	_ =	shalt  }
0x82: {  	_ =	shalt  }
0x83: {  	_ =	shalt  }
0x84: {  	_ =	shalt  }
0x85: {  	_ =	shalt  }
0x86: {  	_ =	shalt  }
0x87: {  	_ =	shalt  }
.Lfunc_end0:
.L_simem_size_0:
called_computation.1_lowered:
.L_overlay_start_0:
0x88: {  	s2 =	sld [smem:$0x3FD9]  }
0x89: {  	s3 =	sld [smem:$0x3FFE];
	_ =	sdelay $0x1  }
0x8a: {  	s1 =	srdreg.scid  }
0x8b: {  	s0 =	sand.u32 $0x1, s1  }
0x8c: {  	s17 =	sshll.u32 s0, $0xA;
	s2 =	sadd.s32 s3, s2  }
0x8d: {  	s2 =	sadd.s32 s2, s17  }
0x8e: {  	[smem:$0x3FC2] =	sst s2  }
0x8f: {  	_ = 	snop  }
0x90: {  	s2 =	sld [smem:$0x3FD0];
	(tm) =	ssettm $0x1  }
0x91: {  	s18 =	sld [smem:$0x3FFB];
	_ =	sdelay $0x3  }
0x92: {  	_ =	strace s18  }
0x93: {  	s3 =	sld [smem:$0x3FFC];
	_ =	sdelay $0x3  }
0x94: {  	_ =	strace s3  }
0x95: {  	s3 =	sld [smem:$0x3FFD];
	_ =	sdelay $0x3  }
0x96: {  	_ =	strace s3  }
0x97: {  	_ =	strace $0x8FFFFFFF  }
0x98: {  	s19 =	sld [smem:$0x3FDB];
	_ =	sdelay $0x1  }
0x99: {  	s4 =	simm.s32 $_scs_section_size  }
0x9a: {  	s5 =	simm.s32 $_size__tile_overlayer_lowered;
	s6 =	simm.s32 $_tile_overlayer_lowered  }
0x9b: {  	s22 =	simm.s32 $0x1BFF;
	s21 =	sshll.u32 s6, $0x1;
	s3 =	sadd.s32 s4, s19  }
0x9c: {  	s7 =	simm.s32 $0x0;
	s20 =	sshll.u32 s5, $0x1;
	s5 =	sadd.s32 s21, s3  }
0x9d: {  	[timem:s7], [sflag:s22] =	dma.local [hbm:s5], s20  }
0x9e: {  	_ =	swait.ge [sflag:s22], s20  }
0x9f: {  	s4 =	ssub.s32 $0x0, s20;
	[sflag:s22] =	ssyncset.done $0x0  }
0xa0: {  	[sflag:s22] =	ssyncadd.s32 s4;
	_ =	sdelay $0x1  }
0xa1: {  	s23 =	simm.s32 $0x1B8B  }
0xa2: {  	_ =	swait.ge [sflag:s23], $0x1  }
0xa3: {  	[sflag:s23] =	ssyncset.done $0x0  }
0xa4: {  	s25 =	simm.s32 $0x1B8E;
	s24 =	sld [smem:$0x3FFE];
	[sflag:s23] =	ssyncadd.s32 $0xFFFFFFFF  }
0xa5: {  	s26 =	simm.s32 $execute0_lowered;
	[smem:$0x3FD2] =	sst s25  }
0xa6: {  	s5 =	sshll.u32 s26, $0x1;
	_ =	strace $0x80000049;
	[dreg:$0x1] =	wrdreg $0xFFFFFFFF  }
0xa7: {  	s28 =	simm.s32 $_size_execute0_lowered;
	s3 =	sadd.s32 s3, s5;
	[dreg:$0x0] =	wrdreg $0x0  }
0xa8: {  	s5 =	sshll.u32 s28, $0x1;
	[dreg:$0x2] =	wrdreg s3  }
0xa9: {  	[dreg:$0x3] =	wrdreg s5  }
0xaa: {  	[dreg:$0x4] =	wrdreg $0xC0  }
0xab: {  	_ =	task [dreg:s7], $0x5FFFF  }
0xac: {  	[dreg:$0x1] =	wrdreg $0xFFFFFFFF  }
0xad: {  	[dreg:$0x0] =	wrdreg $0x60  }
0xae: {  	[dreg:$0x2] =	wrdreg s24  }
0xaf: {  	[dreg:$0x3] =	wrdreg s2  }
0xb0: {  	[dreg:$0x4] =	wrdreg $0x96000  }
0xb1: {  	[dreg:$0x5] =	wrdreg $0x9  }
0xb2: {  	_ =	task.clear_ibuf [dreg:s7], $0x6FFFF;
	_ =	strace $0x90000049  }
0xb3: {  	s29 =	simm.s32 $0x9;
	_ =	strace $0x8000004B  }
0xb4: {  	_ =	swait.ge [sflag:s29], $0x1  }
0xb5: {  	[sflag:s29] =	ssyncadd.s32 $0xFFFFFFFF  }
0xb6: {  	_ =	strace $0x9000004B  }
0xb7: {  	_ =	sfence  }
0xb8: {  	s30 =	sld [smem:$0x0];
	_ =	sdelay $0x2  }
0xb9: {  	s31 =	sshll.u32 s1, $0xD;
	s1 =	sshrl.u32 s1, $0x2  }
0xba: {  	s3 =	sand.u32 $0x4000, s31;
	s1 =	sadd.s32 s1, s30  }
0xbb: {  	s0 =	sor.u32 s3, s0;
	s1 =	sshll.u32 s1, $0x11  }
0xbc: {  	s0 =	sor.u32 s1, s0  }
0xbd: {  	s0 =	sadd.s32 $0x8F2B, s0  }
0xbe: {  	[sflag:s0] =	ssyncadd.remote.s32 $0x1  }
0xbf: {  	_ =	sfence.sel $0xFFFF  }
0xc0: {  	[dreg:$0x0] =	wrdreg $0xFFFFFFFF;
	(pc) =	sbr.abs _section_cstart, $3  }
0xc1: {  	[dreg:$0x1] =	wrdreg $0xFFFFFFFF  }
0xc2: {  	_ =	task.clear_ibuf [dreg:s7], $0x2FFFF;
	_ =	strace $0x9FFFFFFF  }
0xc3: {  	(tm) =	ssettm $0x7FFFFFFF  }
tec
execute0_lowered:
.L_overlay_start_1:
0x0: {  	(tag) =	ssettag $0x1  }
0x1: {  	s0 =	rddreg [dreg:$0x0]  }
0x2: {  	s1 =	rddreg [dreg:$0x1];
	s13 =	stileid.u32  }
0x3: {  	s3 =	srdreg.scid;
	s2 =	rddreg [dreg:$0x2]  }
0x4: {  	s18 =	simm.s32 $0xA;
	s19 =	simm.s32 $0x60;
	s4 =	smul.u32 $0x14000, s13  }
0x5: {  	s20 =	simm.s32 $0x100;
	s6 =	sand.u32 $0x1, s3;
	s10 =	smul.u32 $0x50000, s13  }
0x6: {  	s3 =	simm.s32 $0x0;
	s25 =	sshll.u32 s13, $0x6;
	s5 =	smul.u32 $0x140000, s6  }
0x7: {  	[smem:$0x7FF] =	sst s3;
	s8 =	ssub.s32 $0x2, s6;
	s22 =	sshll.u32 s6, $0x4  }
0x8: {  	p0 =	seq.s32 s6, $0x0;
	s12 =	smul.u32 $0x99000, s6;
	_ =	strace $0x8000004A  }
0x9: {  	s7 =	sshrl.u32 s4, $0x3;
	s9 =	sshrl.u32 s8, $0x1;
	s11 =	sor.u32 s13, s22  }
0xa: {  	s23 =	sshrl.u32 s10, $0x2;
	s13 =	smul.u32 $0x9900, s13;
	s5 =	sadd.s32 s4, s5  }
0xb: {  	s4 =	sadd.s32 $0x84400, s0;
	s7 =	sadd.s32 s7, s0;
	s11 =	smul.u32 $0x9900, s11  }
0xc: {  	s15 =	ssub.s32 s8, s9;
	s16 =	sadd.s32 s23, s2;
	s8 =	sor.u32 $0x1C0A, s25  }
0xd: {  	s25 =	simm.s32 $0x0;
	s5 =	sshrl.u32 s5, $0x3;
	s7 =	sadd.s32 $0xC400, s7  }
0xe: {  	s14 =	sadd.s32 s13, s12;
	s15 =	smax.u32 s15, $0x1;
	s24 =	sshrl.u32 s11, $0x3  }
0xf: {  	s0 =	sadd.s32 s5, s0;
	s5 =	simm.s32 $0x99;
	s6 =	sadd.s32 s1, s24  }
0x10: {  	[dreg:$0x5] =	wrdreg s7;
	s17 =	sadd.s32 $0x600, s14;
	s26 =	sadd.s32 $0x20, s6  }
0x11: {  	s5 =	simm.s32 @!p0 $0x39;
	s28 =	sadd.s32 $0x40, s6;
	[dreg:$0x6] =	wrdreg s26  }
0x12: {  	s14 =	sadd.s32 $0xAC400, s0;
	s29 =	sadd.s32 $0x60, s6;
	[dreg:$0x7] =	wrdreg s28  }
0x13: {  	s17 =	sshrl.u32 s17, $0x3;
	s30 =	sadd.s32 $0x80, s6;
	[dreg:$0x8] =	wrdreg s29  }
0x14: {  	s13 =	sadd.s32 $0xA0, s6;
	s31 =	sshll.u32 s5, $0x2;
	[dreg:$0x9] =	wrdreg s30  }
0x15: {  	s1 =	sadd.s32 s17, s1;
	s17 =	sshrl.u32 s16, $0x3;
	[dreg:$0x4] =	wrdreg s31  }
.LBB2_1:
0x16: {  	s0 =	rddreg [dreg:$0x5]  }
0x17: {  	[spmem:s17], [sflag:s8] =	dma.local [hbm:s0], $0x2800  }
0x18: {  	_ =	swait.ge [sflag:s18], $0x2800  }
0x19: {  	[sflag:s18] =	ssyncset.done $0x0  }
0x1a: {  	[sflag:s18] =	ssyncadd.s32 $0xFFFFD800  }
0x1b: {  	[bflag:$0x0] =	sbarrier.arrive $0xFFFF  }
0x1c: {  	[tilespmem:s3], [sflag:$0xA] =	stream.linear.gather [hbm4b:s6+s3], $0x100, $0x38;
	[tilespmem:$0x1D600] =	vst v63  }
0x1d: {  	_ =	swait.ge [sflag:s18], $0x100  }
0x1e: {  	[sflag:s18] =	ssyncset.done $0x0  }
0x1f: {  	s26 =	simm.s32 $0x600;
	[sflag:s18] =	ssyncadd.s32 $0xFFFFFF00  }
0x20: {  	[tilespmem:s26], [sflag:$0x7] =	stream.indirect.gather [hbm4b:s4+s19], $0x80, s3, s19, $0xb8;
	[tilespmem:$0x1D600] =	vst v63  }
0x21: {  	s11 =	rddreg [dreg:$0x6]  }
0x22: {  	[tilespmem:s20], [sflag:$0xA] =	stream.linear.gather [hbm4b:s11+s3], $0x100, $0x38;
	[tilespmem:$0x1D600] =	vst v63  }
0x23: {  	_ =	swait.ge [sflag:s18], $0x100  }
0x24: {  	[sflag:s18] =	ssyncset.done $0x0  }
0x25: {  	s12 =	simm.s32 $0x3600;
	s28 =	simm.s32 $0x200;
	[sflag:s18] =	ssyncadd.s32 $0xFFFFFF00  }
0x26: {  	[tilespmem:s12], [sflag:$0x8] =	stream.indirect.gather [hbm4b:s4+s19], $0x80, s20, s19, $0xb8;
	[tilespmem:$0x1D600] =	vst v63  }
0x27: {  	s7 =	simm.s32 $0x300;
	s23 =	simm.s32 $0x400;
	s16 =	rddreg [dreg:$0x7]  }
0x28: {  	[tilespmem:s28], [sflag:$0x3] =	stream.linear.gather [hbm4b:s16+s3], $0x100, $0x38;
	[tilespmem:$0x1D600] =	vst v63  }
0x29: {  	s24 =	simm.s32 $0x500;
	s29 =	simm.s32 $0x2;
	s21 =	rddreg [dreg:$0x8]  }
0x2a: {  	[tilespmem:s7], [sflag:$0x4] =	stream.linear.gather [hbm4b:s21+s3], $0x100, $0x38;
	[tilespmem:$0x1D600] =	vst v63  }
0x2b: {  	s30 =	simm.s32 $0x6600;
	s31 =	simm.s32 $0x6;
	s22 =	rddreg [dreg:$0x9]  }
0x2c: {  	[tilespmem:s23], [sflag:$0x5] =	stream.linear.gather [hbm4b:s22+s3], $0x100, $0x38;
	[tilespmem:$0x1D600] =	vst v63  }
0x2d: {  	s0 =	simm.s32 $0x0;
	s16 =	smov.u32 s1;
	s21 =	simm.s32 $0x0  }
0x2e: {  	[tilespmem:s24], [sflag:$0x6] =	stream.linear.gather [hbm4b:s13+s3], $0x100, $0x38;
	[tilespmem:$0x1D600] =	vst v63  }
.LBB2_2:
0x2f: {  	s22 =	smulhi.u32 $0xAAAAAAAB, s21;
	_ =	sdelay $0x1  }
0x30: {  	s23 =	smulhi.u32 $0xAAAAAAAB, s29;
	s24 =	sshrl.u32 s22, $0x1  }
0x31: {  	s7 =	smul.u32 $0xFFFFFFF4, s24  }
0x32: {  	s22 =	sshrl.u32 s22, $0x2;
	s24 =	smul.u32 $0xFFFDC000, s24  }
0x33: {  	s9 =	sshrl.u32 s23, $0x2;
	s11 =	smul.u32 $0x1800, s22  }
0x34: {  	s10 =	sshra.s32 s0, $0x2;
	s12 =	smul.u32 $0xFFFFFFE8, s9;
	s7 =	sshra.s32 s7, $0x2  }
0x35: {  	p0 =	sge.u32 s31, s5;
	s22 =	smul.u32 $0xFFFFFFE8, s22;
	s7 =	sadd.s32 s10, s7  }
0x36: {  	s24 =	sshra.s32 s24, $0x2;
	s11 =	ssub.s32 $0x200, s11;
	s7 =	sadd.s32 $0x7, s7  }
0x37: {  	s22 =	sshra.s32 s22, $0x2;
	s11 =	sshra.s32 s11, $0x2;
	_ =	swait.ge [sflag:s7], $0x3000  }
0x38: {  	s10 =	sadd.s32 s24, s26;
	s11 =	sadd.s32 s11, s28;
	[sflag:s7] =	ssyncset.done $0x0  }
0x39: {  	s24 =	sadd.s32 $0xFFFFFE00, s11;
	[sflag:s7] =	ssyncadd.s32 $0xFFFFD000;
	s7 =	sor.u32 $0x1, s22  }
0x3a: {  	[spmem:s2] =	stream.indirect.scatter.add.f32 [tilespmem:s10], [sflag:$0xA], $0x80, s24, s19, $0xb8;
	[tilespmem:$0x1D600] =	vst v63  }
0x3b: {  	s10 =	sadd.s32 $0xFFFFFD80, s11;
	s11 =	sshra.s32 @!p0 s0, $0x2;
	_ =	swait.ge [sflag:s18], $0x3000  }
0x3c: {  	s24 =	sshrl.u32 s23, $0x1;
	s7 =	sadd.s32 @!p0 s11, s7;
	[sflag:s18] =	ssyncset.done $0x0  }
0x3d: {  	s11 =	simm.s32 @!p0 $0x0;
	s23 =	smul.u32 $0xFFFFFFF4, s24;
	[sflag:s18] =	ssyncadd.s32 $0xFFFFD000  }
0x3e: {  	[tilespmem:s10], [sflag:s7] =	stream.linear.gather @!p0 [hbm4b:s16+s11], $0x100, $0x38;
	[tilespmem:$0x1D600] =	vst v63  }
0x3f: {  	s9 =	smul.u32 $0xFFFFE800, s9;
	s22 =	sshra.s32 s12, $0x2;
	s11 =	sadd.s32 $0xFFFFFFFC, s31  }
0x40: {  	s12 =	sshra.s32 s23, $0x2;
	s7 =	smul.u32 $0xFFFDC000, s24;
	p0 =	sge.u32 s11, s5  }
0x41: {  	s10 =	sadd.s32 $0x3, s22;
	s12 =	sadd.s32 $0x9, s12;
	s11 =	sshra.s32 @!p0 s0, $0x2  }
0x42: {  	s7 =	sshra.s32 s7, $0x2;
	s9 =	sshra.s32 @!p0 s9, $0x2;
	s10 =	sadd.s32 @!p0 s11, s10  }
0x43: {  	s0 =	sadd.s32 $0x4, s0;
	s7 =	sadd.s32 s7, s30;
	_ =	swait.ge @!p0 [sflag:s10], $0x100  }
0x44: {  	s9 =	sadd.s32 @!p0 s9, s28;
	[sflag:s10] =	ssyncset.done @!p0 $0x0;
	s24 =	rddreg [dreg:$0x4]  }
0x45: {  	[sflag:s10] =	ssyncadd.s32 @!p0 $0xFFFFFF00;
	s10 =	sadd.s32 @!p0 s11, s12;
	s11 =	simm.s32 @!p0 $0x60  }
0x46: {  	[tilespmem:s7], [sflag:s10] =	stream.indirect.gather @!p0 [hbm4b:s4+s11], $0x80, s9, s11, $0xb8;
	[tilespmem:$0x1D600] =	vst v63  }
0x47: {  	p0 =	sne.s32 s24, s0  }
.Ltmp0:
0x48: {  	_ = 	snop;
	(pc) =	sbr.rel @p0 .LBB2_2-.Ltmp0, $4  }
0x49: {  	_ = 	snop  }
0x4a: {  	s21 =	sadd.s32 $0x1, s21  }
0x4b: {  	s29 =	sadd.s32 $0x1, s29;
	s26 =	sadd.s32 $0x3000, s26;
	s31 =	sadd.s32 $0x1, s31  }
0x4c: {  	s16 =	sadd.s32 $0x20, s16;
	s28 =	sadd.s32 $0x100, s28;
	s30 =	sadd.s32 $0x3000, s30  }
0x4d: {  	s25 =	sadd.s32 $0x1, s25  }
0x4e: {  	p0 =	sne.s32 s25, s15  }
.Ltmp1:
0x4f: {  	[bflag:$0x0] =	sbarrier.arrive $0xFFFF;
	(pc) =	sbr.rel @p0 .LBB2_1-.Ltmp1, $4  }
0x50: {  	[hbm:s14], [sflag:s8] =	dma.local [spmem:s17], $0x2800  }
0x51: {  	_ =	swait.ge [sflag:s18], $0x2800  }
0x52: {  	[sflag:s18] =	ssyncset.done $0x0  }
0x53: {  	[sflag:s18] =	ssyncadd.s32 $0xFFFFD800  }
0x54: {  	_ =	sfence.sel $0x180000  }
0x55: {  	[bflag:$0x0] =	sbarrier.arrive $0xFFFF  }
0x56: {  	_ =	strace $0x9000004A  }
0x57: {  	s0 =	stileid.u32;
	[bflag:$0x2] =	sbarrier.arrive $0xFFFF  }
0x58: {  	p0 =	sne.s32 s0, $0x0;
	s0 =	rddreg [dreg:$0x3]  }
0x59: {  	s0 =	sadd.s32 @!p0 $0x100000, s0  }
0x5a: {  	[sflag:s0] =	ssyncadd.tile.s32 @!p0 $0x1;
	_ =	shalt  }
.Lfunc_end2:
_tile_overlayer_lowered:
.L_overlay_start_2:
0x5b: {  	(tag) =	ssettag $0x2  }
0x5c: {  	s0 =	rddreg [dreg:$0x0];
	s2 =	stileid.u32  }
0x5d: {  	s1 =	rddreg [dreg:$0x1];
	p0 =	sne.s32 s2, $0x0  }
0x5e: {  	s3 =	rddreg [dreg:$0x2];
	[bflag:$0x3] =	sbarrier.arrive $0xFFFF;
	s2 =	simm.s32 @!p0 $0x1C0A  }
0x5f: {  	[timem:s3], [sflag:s2] =	dma.local @!p0 [hbm:s0], s1  }
0x60: {  	s0 =	simm.s32 @!p0 $0xA  }
0x61: {  	_ =	swait.ge @!p0 [sflag:s0], s1  }
0x62: {  	s1 =	ssub.s32 @!p0 $0x0, s1;
	[sflag:s0] =	ssyncset.done @!p0 $0x0  }
0x63: {  	[sflag:s0] =	ssyncadd.s32 @!p0 s1  }
0x64: {  	[bflag:$0x3] =	sbarrier.arrive $0xFFFF  }
0x65: {  	_ =	shalt  }

// kernel: kernel.14.cloned.1.call-start
scs
__scs_entry_jumppad:
0x0: {  	(pc) =	sbr.rel $0x88, $3  }
0x1: {  	(tag) =	ssettag $0x0;
	lr =	simm.s32 $0x1  }
0x2: {  	[smem:$0x3F9B] =	sst lr;
	_ =	strace $0xD0000000  }
0x3: {  	_ = 	snop  }
0x4: {  	_ = 	snop  }
0x5: {  	_ = 	snop  }
0x6: {  	_ = 	snop  }
0x7: {  	_ = 	snop  }
__scs_overlays_trampoline_lowered:
0x8: {  	[smem:$0x3FAA] =	sst s0  }
0x9: {  	[smem:$0x3FAB] =	sst s1  }
0xa: {  	[smem:$0x3FAC] =	sst s2  }
0xb: {  	[smem:$0x3FAD] =	sst s3  }
0xc: {  	[smem:$0x3FAE] =	sst s4  }
0xd: {  	[smem:$0x3FAF] =	sst s5  }
0xe: {  	[smem:$0x3FB0] =	sst s6  }
0xf: {  	[smem:$0x3FB1] =	sst s7  }
0x10: {  	[smem:$0x3FB2] =	sst s8  }
0x11: {  	[smem:$0x3FB3] =	sst s9;
	s0 =	simm.s32 @!p0 $0x0  }
0x12: {  	s1 =	sld [smem:$0x3F99];
	s0 =	simm.s32 @p0 $0x1  }
0x13: {  	[smem:$0x3FB4] =	sst s0;
	s0 =	simm.s32 @!p1 $0x0  }
0x14: {  	s2 =	sld [smem:$0x3F98];
	s0 =	simm.s32 @p1 $0x1  }
0x15: {  	[smem:$0x3FB5] =	sst s0;
	s0 =	simm.s32 @!p2 $0x0  }
0x16: {  	s3 =	sld [smem:$0x3FDB];
	s0 =	simm.s32 @p2 $0x1  }
0x17: {  	s4 =	simm.s32 $0x1BF5;
	[smem:$0x3FB7] =	sst s0  }
0x18: {  	s0 =	sld [smem:$0x3F9A];
	_ =	swait.ge [sflag:s4], $0x0  }
0x19: {  	s7 =	sld [smem:$0x3F9B]  }
0x1a: {  	s8 =	sadd.s32 $0xFFFFE003, lr  }
0x1b: {  	s9 =	sadd.s32 $0xFFFFFEF7, lr;
	s5 =	simm.s32 $0xFFFFFFFF;
	p2 =	slt.u32 s8, $0xFFFFF086  }
0x1c: {  	p1 =	slt.u32 s9, $0xF7A;
	s5 =	simm.s32 @!p2 $0x0  }
0x1d: {  	s5 =	simm.s32 @p1 $0x1;
	p0 =	seq.s32 s7, s2  }
0x1e: {  	s7 =	smul.u32 @!p0 $0xF7A, s2;
	p2 =	seq.s32 @!p0 s5, $0x0  }
0x1f: {  	s9 =	smul.u32 $0xF7A, s1;
	s8 =	simm.s32 @!p0 $0x1BF5;
	p2 =	por !p2, p0  }
0x20: {  	[sflag:s8] =	ssyncset.s32 @!p0 $0xFFFFF086;
	s6 =	sadd.s32 @!p0 s3, s7;
	s7 =	simm.s32 @!p0 $0x108  }
0x21: {  	s3 =	sadd.s32 s3, s9;
	s6 =	sadd.s32 @!p0 $0x88, s6;
	s7 =	simm.s32 @p2 $0x1082  }
0x22: {  	[simem:s7], [sflag:s8] =	dma.local @!p0 [hbm:s6], $0xF7A  }
0x23: {  	s9 =	sor.u32 $0xD0000000, s2;
	s6 =	simm.s32 $0x108;
	_ =	swait.ge @!p0 [sflag:s8], $0x0  }
0x24: {  	s3 =	sadd.s32 $0x88, s3;
	s6 =	simm.s32 @!p1 $0x1082;
	[sflag:s4] =	ssyncset.s32 $0xFFFFF086  }
0x25: {  	[simem:s6], [sflag:s4] =	dma.local [hbm:s3], $0xF7A  }
0x26: {  	[smem:$0x3F9B] =	sst s1;
	(tag) =	ssettag s2;
	_ =	strace s9  }
0x27: {  	s1 =	sld [smem:$0x3FAB]  }
0x28: {  	s2 =	sld [smem:$0x3FAC]  }
0x29: {  	s4 =	sld [smem:$0x3FAE]  }
0x2a: {  	p0 =	seq.s32 s5, $0x0;
	s5 =	sld [smem:$0x3FAF]  }
0x2b: {  	s6 =	sld [smem:$0x3FB0]  }
0x2c: {  	s7 =	sld [smem:$0x3FB1]  }
0x2d: {  	s3 =	simm.s32 $0x108;
	s8 =	sld [smem:$0x3FB2]  }
0x2e: {  	s3 =	simm.s32 @!p0 $0x1082;
	s9 =	sld [smem:$0x3FB3]  }
0x2f: {  	lr =	sadd.s32 s0, s3;
	s0 =	sld [smem:$0x3FAA]  }
0x30: {  	s3 =	sld [smem:$0x3FAD]  }
0x31: {  	[smem:$0x3FB6] =	sst s10  }
0x32: {  	s10 =	sld [smem:$0x3FB4];
	_ =	sdelay $0x3  }
0x33: {  	p0 =	seq.s32 s10, $0x1;
	s10 =	sld [smem:$0x3FB6];
	_ =	sdelay $0x3  }
0x34: {  	[smem:$0x3FB6] =	sst s10  }
0x35: {  	s10 =	sld [smem:$0x3FB5];
	_ =	sdelay $0x3  }
0x36: {  	p1 =	seq.s32 s10, $0x1;
	s10 =	sld [smem:$0x3FB6];
	_ =	sdelay $0x3  }
0x37: {  	[smem:$0x3FB6] =	sst s10  }
0x38: {  	s10 =	sld [smem:$0x3FB7]  }
0x39: {  	_ = 	snop;
	(pc) =	sbr.ind lr, $3  }
0x3a: {  	_ = 	snop  }
0x3b: {  	_ = 	snop  }
0x3c: {  	p2 =	seq.s32 s10, $0x1;
	s10 =	sld [smem:$0x3FB6]  }
0x3d: {  	_ =	shalt  }
0x3e: {  	_ =	shalt  }
0x3f: {  	_ =	shalt  }
0x40: {  	_ =	shalt  }
0x41: {  	_ =	shalt  }
0x42: {  	_ =	shalt  }
0x43: {  	_ =	shalt  }
0x44: {  	_ =	shalt  }
0x45: {  	_ =	shalt  }
0x46: {  	_ =	shalt  }
0x47: {  	_ =	shalt  }
0x48: {  	_ =	shalt  }
0x49: {  	_ =	shalt  }
0x4a: {  	_ =	shalt  }
0x4b: {  	_ =	shalt  }
0x4c: {  	_ =	shalt  }
0x4d: {  	_ =	shalt  }
0x4e: {  	_ =	shalt  }
0x4f: {  	_ =	shalt  }
0x50: {  	_ =	shalt  }
0x51: {  	_ =	shalt  }
0x52: {  	_ =	shalt  }
0x53: {  	_ =	shalt  }
0x54: {  	_ =	shalt  }
0x55: {  	_ =	shalt  }
0x56: {  	_ =	shalt  }
0x57: {  	_ =	shalt  }
0x58: {  	_ =	shalt  }
0x59: {  	_ =	shalt  }
0x5a: {  	_ =	shalt  }
0x5b: {  	_ =	shalt  }
0x5c: {  	_ =	shalt  }
0x5d: {  	_ =	shalt  }
0x5e: {  	_ =	shalt  }
0x5f: {  	_ =	shalt  }
0x60: {  	_ =	shalt  }
0x61: {  	_ =	shalt  }
0x62: {  	_ =	shalt  }
0x63: {  	_ =	shalt  }
0x64: {  	_ =	shalt  }
0x65: {  	_ =	shalt  }
0x66: {  	_ =	shalt  }
0x67: {  	_ =	shalt  }
0x68: {  	_ =	shalt  }
0x69: {  	_ =	shalt  }
0x6a: {  	_ =	shalt  }
0x6b: {  	_ =	shalt  }
0x6c: {  	_ =	shalt  }
0x6d: {  	_ =	shalt  }
0x6e: {  	_ =	shalt  }
0x6f: {  	_ =	shalt  }
0x70: {  	_ =	shalt  }
0x71: {  	_ =	shalt  }
0x72: {  	_ =	shalt  }
0x73: {  	_ =	shalt  }
0x74: {  	_ =	shalt  }
0x75: {  	_ =	shalt  }
0x76: {  	_ =	shalt  }
0x77: {  	_ =	shalt  }
0x78: {  	_ =	shalt  }
0x79: {  	_ =	shalt  }
0x7a: {  	_ =	shalt  }
0x7b: {  	_ =	shalt  }
0x7c: {  	_ =	shalt  }
0x7d: {  	_ =	shalt  }
0x7e: {  	_ =	shalt  }
0x7f: {  	_ =	shalt  }
0x80: {  	_ =	shalt  }
0x81: {  	_ =	shalt  }
0x82: {  	_ =	shalt  }
0x83: {  	_ =	shalt  }
0x84: {  	_ =	shalt  }
0x85: {  	_ =	shalt  }
0x86: {  	_ =	shalt  }
0x87: {  	_ =	shalt  }
.Lfunc_end0:
.L_simem_size_0:
called_computation.2_lowered:
.L_overlay_start_0:
0x88: {  	s2 =	sld [smem:$0x3FD9]  }
0x89: {  	s3 =	sld [smem:$0x3FFE];
	_ =	sdelay $0x1  }
0x8a: {  	s1 =	srdreg.scid  }
0x8b: {  	s0 =	sand.u32 $0x1, s1  }
0x8c: {  	s17 =	sshll.u32 s0, $0xA;
	s2 =	sadd.s32 s3, s2  }
0x8d: {  	s2 =	sadd.s32 s2, s17  }
0x8e: {  	[smem:$0x3FC2] =	sst s2  }
0x8f: {  	_ = 	snop  }
0x90: {  	s2 =	sld [smem:$0x3FD0];
	(tm) =	ssettm $0x1  }
0x91: {  	s18 =	sld [smem:$0x3FFB];
	_ =	sdelay $0x3  }
0x92: {  	_ =	strace s18  }
0x93: {  	s3 =	sld [smem:$0x3FFC];
	_ =	sdelay $0x3  }
0x94: {  	_ =	strace s3  }
0x95: {  	s3 =	sld [smem:$0x3FFD];
	_ =	sdelay $0x3  }
0x96: {  	_ =	strace s3  }
0x97: {  	_ =	strace $0x8FFFFFFF  }
0x98: {  	s19 =	sld [smem:$0x3FDB];
	_ =	sdelay $0x1  }
0x99: {  	s4 =	simm.s32 $_scs_section_size  }
0x9a: {  	s5 =	simm.s32 $_size__tile_overlayer_lowered;
	s6 =	simm.s32 $_tile_overlayer_lowered  }
0x9b: {  	s22 =	simm.s32 $0x1BFF;
	s21 =	sshll.u32 s6, $0x1;
	s3 =	sadd.s32 s4, s19  }
0x9c: {  	s7 =	simm.s32 $0x0;
	s20 =	sshll.u32 s5, $0x1;
	s5 =	sadd.s32 s21, s3  }
0x9d: {  	[timem:s7], [sflag:s22] =	dma.local [hbm:s5], s20  }
0x9e: {  	_ =	swait.ge [sflag:s22], s20  }
0x9f: {  	s4 =	ssub.s32 $0x0, s20;
	[sflag:s22] =	ssyncset.done $0x0  }
0xa0: {  	[sflag:s22] =	ssyncadd.s32 s4;
	_ =	sdelay $0x1  }
0xa1: {  	s23 =	simm.s32 $0x1B8B  }
0xa2: {  	_ =	swait.ge [sflag:s23], $0x1  }
0xa3: {  	[sflag:s23] =	ssyncset.done $0x0  }
0xa4: {  	s25 =	simm.s32 $0x1B8E;
	s24 =	sld [smem:$0x3FFE];
	[sflag:s23] =	ssyncadd.s32 $0xFFFFFFFF  }
0xa5: {  	s26 =	simm.s32 $execute0_lowered;
	[smem:$0x3FD2] =	sst s25  }
0xa6: {  	s5 =	sshll.u32 s26, $0x1;
	_ =	strace $0x8000004C;
	[dreg:$0x1] =	wrdreg $0xFFFFFFFF  }
0xa7: {  	s28 =	simm.s32 $_size_execute0_lowered;
	s3 =	sadd.s32 s3, s5;
	[dreg:$0x0] =	wrdreg $0x0  }
0xa8: {  	s5 =	sshll.u32 s28, $0x1;
	[dreg:$0x2] =	wrdreg s3  }
0xa9: {  	[dreg:$0x3] =	wrdreg s5  }
0xaa: {  	[dreg:$0x4] =	wrdreg $0xC0  }
0xab: {  	_ =	task [dreg:s7], $0x5FFFF  }
0xac: {  	[dreg:$0x1] =	wrdreg $0xFFFFFFFF  }
0xad: {  	[dreg:$0x0] =	wrdreg $0x60  }
0xae: {  	[dreg:$0x2] =	wrdreg s24  }
0xaf: {  	[dreg:$0x3] =	wrdreg s2  }
0xb0: {  	[dreg:$0x4] =	wrdreg $0x96000  }
0xb1: {  	[dreg:$0x5] =	wrdreg $0x9  }
0xb2: {  	_ =	task.clear_ibuf [dreg:s7], $0x6FFFF;
	_ =	strace $0x9000004C  }
0xb3: {  	s29 =	simm.s32 $0x9;
	_ =	strace $0x8000004E  }
0xb4: {  	_ =	swait.ge [sflag:s29], $0x1  }
0xb5: {  	[sflag:s29] =	ssyncadd.s32 $0xFFFFFFFF  }
0xb6: {  	_ =	strace $0x9000004E  }
0xb7: {  	_ =	sfence  }
0xb8: {  	s30 =	sld [smem:$0x0];
	_ =	sdelay $0x2  }
0xb9: {  	s31 =	sshll.u32 s1, $0xD;
	s1 =	sshrl.u32 s1, $0x2  }
0xba: {  	s3 =	sand.u32 $0x4000, s31;
	s1 =	sadd.s32 s1, s30  }
0xbb: {  	s0 =	sor.u32 s3, s0;
	s1 =	sshll.u32 s1, $0x11  }
0xbc: {  	s0 =	sor.u32 s1, s0  }
0xbd: {  	s0 =	sadd.s32 $0x8F2B, s0  }
0xbe: {  	[sflag:s0] =	ssyncadd.remote.s32 $0x1  }
0xbf: {  	_ =	sfence.sel $0xFFFF  }
0xc0: {  	[dreg:$0x0] =	wrdreg $0xFFFFFFFF;
	(pc) =	sbr.abs _section_cstart, $3  }
0xc1: {  	[dreg:$0x1] =	wrdreg $0xFFFFFFFF  }
0xc2: {  	_ =	task.clear_ibuf [dreg:s7], $0x2FFFF;
	_ =	strace $0x9FFFFFFF  }
0xc3: {  	(tm) =	ssettm $0x7FFFFFFF  }
tec
execute0_lowered:
.L_overlay_start_1:
0x0: {  	(tag) =	ssettag $0x1  }
0x1: {  	s0 =	rddreg [dreg:$0x0]  }
0x2: {  	s1 =	rddreg [dreg:$0x1];
	s13 =	stileid.u32  }
0x3: {  	s3 =	srdreg.scid;
	s2 =	rddreg [dreg:$0x2]  }
0x4: {  	s18 =	simm.s32 $0xA;
	s19 =	simm.s32 $0x60;
	s4 =	smul.u32 $0x14000, s13  }
0x5: {  	s20 =	simm.s32 $0x100;
	s6 =	sand.u32 $0x1, s3;
	s10 =	smul.u32 $0x50000, s13  }
0x6: {  	s3 =	simm.s32 $0x0;
	s25 =	sshll.u32 s13, $0x6;
	s5 =	smul.u32 $0x140000, s6  }
0x7: {  	[smem:$0x7FF] =	sst s3;
	s8 =	ssub.s32 $0x2, s6;
	s22 =	sshll.u32 s6, $0x4  }
0x8: {  	p0 =	seq.s32 s6, $0x0;
	s12 =	smul.u32 $0x99000, s6;
	_ =	strace $0x8000004D  }
0x9: {  	s7 =	sshrl.u32 s4, $0x3;
	s9 =	sshrl.u32 s8, $0x1;
	s11 =	sor.u32 s13, s22  }
0xa: {  	s23 =	sshrl.u32 s10, $0x2;
	s13 =	smul.u32 $0x9900, s13;
	s5 =	sadd.s32 s4, s5  }
0xb: {  	s4 =	sadd.s32 $0x84400, s0;
	s7 =	sadd.s32 s7, s0;
	s11 =	smul.u32 $0x9900, s11  }
0xc: {  	s15 =	ssub.s32 s8, s9;
	s16 =	sadd.s32 s23, s2;
	s8 =	sor.u32 $0x1C0A, s25  }
0xd: {  	s25 =	simm.s32 $0x0;
	s5 =	sshrl.u32 s5, $0x3;
	s7 =	sadd.s32 $0xC400, s7  }
0xe: {  	s14 =	sadd.s32 s13, s12;
	s15 =	smax.u32 s15, $0x1;
	s24 =	sshrl.u32 s11, $0x3  }
0xf: {  	s0 =	sadd.s32 s5, s0;
	s5 =	simm.s32 $0x99;
	s6 =	sadd.s32 s1, s24  }
0x10: {  	[dreg:$0x5] =	wrdreg s7;
	s17 =	sadd.s32 $0x600, s14;
	s26 =	sadd.s32 $0x20, s6  }
0x11: {  	s5 =	simm.s32 @!p0 $0x39;
	s28 =	sadd.s32 $0x40, s6;
	[dreg:$0x6] =	wrdreg s26  }
0x12: {  	s14 =	sadd.s32 $0xAC400, s0;
	s29 =	sadd.s32 $0x60, s6;
	[dreg:$0x7] =	wrdreg s28  }
0x13: {  	s17 =	sshrl.u32 s17, $0x3;
	s30 =	sadd.s32 $0x80, s6;
	[dreg:$0x8] =	wrdreg s29  }
0x14: {  	s13 =	sadd.s32 $0xA0, s6;
	s31 =	sshll.u32 s5, $0x2;
	[dreg:$0x9] =	wrdreg s30  }
0x15: {  	s1 =	sadd.s32 s17, s1;
	s17 =	sshrl.u32 s16, $0x3;
	[dreg:$0x4] =	wrdreg s31  }
.LBB2_1:
0x16: {  	s0 =	rddreg [dreg:$0x5]  }
0x17: {  	[spmem:s17], [sflag:s8] =	dma.local [hbm:s0], $0x2800  }
0x18: {  	_ =	swait.ge [sflag:s18], $0x2800  }
0x19: {  	[sflag:s18] =	ssyncset.done $0x0  }
0x1a: {  	[sflag:s18] =	ssyncadd.s32 $0xFFFFD800  }
0x1b: {  	[bflag:$0x0] =	sbarrier.arrive $0xFFFF  }
0x1c: {  	[tilespmem:s3], [sflag:$0xA] =	stream.linear.gather [hbm4b:s6+s3], $0x100, $0x38;
	[tilespmem:$0x1D600] =	vst v63  }
0x1d: {  	_ =	swait.ge [sflag:s18], $0x100  }
0x1e: {  	[sflag:s18] =	ssyncset.done $0x0  }
0x1f: {  	s26 =	simm.s32 $0x600;
	[sflag:s18] =	ssyncadd.s32 $0xFFFFFF00  }
0x20: {  	[tilespmem:s26], [sflag:$0x7] =	stream.indirect.gather [hbm4b:s4+s19], $0x80, s3, s19, $0xb8;
	[tilespmem:$0x1D600] =	vst v63  }
0x21: {  	s11 =	rddreg [dreg:$0x6]  }
0x22: {  	[tilespmem:s20], [sflag:$0xA] =	stream.linear.gather [hbm4b:s11+s3], $0x100, $0x38;
	[tilespmem:$0x1D600] =	vst v63  }
0x23: {  	_ =	swait.ge [sflag:s18], $0x100  }
0x24: {  	[sflag:s18] =	ssyncset.done $0x0  }
0x25: {  	s12 =	simm.s32 $0x3600;
	s28 =	simm.s32 $0x200;
	[sflag:s18] =	ssyncadd.s32 $0xFFFFFF00  }
0x26: {  	[tilespmem:s12], [sflag:$0x8] =	stream.indirect.gather [hbm4b:s4+s19], $0x80, s20, s19, $0xb8;
	[tilespmem:$0x1D600] =	vst v63  }
0x27: {  	s7 =	simm.s32 $0x300;
	s23 =	simm.s32 $0x400;
	s16 =	rddreg [dreg:$0x7]  }
0x28: {  	[tilespmem:s28], [sflag:$0x3] =	stream.linear.gather [hbm4b:s16+s3], $0x100, $0x38;
	[tilespmem:$0x1D600] =	vst v63  }
0x29: {  	s24 =	simm.s32 $0x500;
	s29 =	simm.s32 $0x2;
	s21 =	rddreg [dreg:$0x8]  }
0x2a: {  	[tilespmem:s7], [sflag:$0x4] =	stream.linear.gather [hbm4b:s21+s3], $0x100, $0x38;
	[tilespmem:$0x1D600] =	vst v63  }
0x2b: {  	s30 =	simm.s32 $0x6600;
	s31 =	simm.s32 $0x6;
	s22 =	rddreg [dreg:$0x9]  }
0x2c: {  	[tilespmem:s23], [sflag:$0x5] =	stream.linear.gather [hbm4b:s22+s3], $0x100, $0x38;
	[tilespmem:$0x1D600] =	vst v63  }
0x2d: {  	s0 =	simm.s32 $0x0;
	s16 =	smov.u32 s1;
	s21 =	simm.s32 $0x0  }
0x2e: {  	[tilespmem:s24], [sflag:$0x6] =	stream.linear.gather [hbm4b:s13+s3], $0x100, $0x38;
	[tilespmem:$0x1D600] =	vst v63  }
.LBB2_2:
0x2f: {  	s22 =	smulhi.u32 $0xAAAAAAAB, s21;
	_ =	sdelay $0x1  }
0x30: {  	s23 =	smulhi.u32 $0xAAAAAAAB, s29;
	s24 =	sshrl.u32 s22, $0x1  }
0x31: {  	s7 =	smul.u32 $0xFFFFFFF4, s24  }
0x32: {  	s22 =	sshrl.u32 s22, $0x2;
	s24 =	smul.u32 $0xFFFDC000, s24  }
0x33: {  	s9 =	sshrl.u32 s23, $0x2;
	s11 =	smul.u32 $0x1800, s22  }
0x34: {  	s10 =	sshra.s32 s0, $0x2;
	s12 =	smul.u32 $0xFFFFFFE8, s9;
	s7 =	sshra.s32 s7, $0x2  }
0x35: {  	p0 =	sge.u32 s31, s5;
	s22 =	smul.u32 $0xFFFFFFE8, s22;
	s7 =	sadd.s32 s10, s7  }
0x36: {  	s24 =	sshra.s32 s24, $0x2;
	s11 =	ssub.s32 $0x200, s11;
	s7 =	sadd.s32 $0x7, s7  }
0x37: {  	s22 =	sshra.s32 s22, $0x2;
	s11 =	sshra.s32 s11, $0x2;
	_ =	swait.ge [sflag:s7], $0x3000  }
0x38: {  	s10 =	sadd.s32 s24, s26;
	s11 =	sadd.s32 s11, s28;
	[sflag:s7] =	ssyncset.done $0x0  }
0x39: {  	s24 =	sadd.s32 $0xFFFFFE00, s11;
	[sflag:s7] =	ssyncadd.s32 $0xFFFFD000;
	s7 =	sor.u32 $0x1, s22  }
0x3a: {  	[spmem:s2] =	stream.indirect.scatter.add.f32 [tilespmem:s10], [sflag:$0xA], $0x80, s24, s19, $0xb8;
	[tilespmem:$0x1D600] =	vst v63  }
0x3b: {  	s10 =	sadd.s32 $0xFFFFFD80, s11;
	s11 =	sshra.s32 @!p0 s0, $0x2;
	_ =	swait.ge [sflag:s18], $0x3000  }
0x3c: {  	s24 =	sshrl.u32 s23, $0x1;
	s7 =	sadd.s32 @!p0 s11, s7;
	[sflag:s18] =	ssyncset.done $0x0  }
0x3d: {  	s11 =	simm.s32 @!p0 $0x0;
	s23 =	smul.u32 $0xFFFFFFF4, s24;
	[sflag:s18] =	ssyncadd.s32 $0xFFFFD000  }
0x3e: {  	[tilespmem:s10], [sflag:s7] =	stream.linear.gather @!p0 [hbm4b:s16+s11], $0x100, $0x38;
	[tilespmem:$0x1D600] =	vst v63  }
0x3f: {  	s9 =	smul.u32 $0xFFFFE800, s9;
	s22 =	sshra.s32 s12, $0x2;
	s11 =	sadd.s32 $0xFFFFFFFC, s31  }
0x40: {  	s12 =	sshra.s32 s23, $0x2;
	s7 =	smul.u32 $0xFFFDC000, s24;
	p0 =	sge.u32 s11, s5  }
0x41: {  	s10 =	sadd.s32 $0x3, s22;
	s12 =	sadd.s32 $0x9, s12;
	s11 =	sshra.s32 @!p0 s0, $0x2  }
0x42: {  	s7 =	sshra.s32 s7, $0x2;
	s9 =	sshra.s32 @!p0 s9, $0x2;
	s10 =	sadd.s32 @!p0 s11, s10  }
0x43: {  	s0 =	sadd.s32 $0x4, s0;
	s7 =	sadd.s32 s7, s30;
	_ =	swait.ge @!p0 [sflag:s10], $0x100  }
0x44: {  	s9 =	sadd.s32 @!p0 s9, s28;
	[sflag:s10] =	ssyncset.done @!p0 $0x0;
	s24 =	rddreg [dreg:$0x4]  }
0x45: {  	[sflag:s10] =	ssyncadd.s32 @!p0 $0xFFFFFF00;
	s10 =	sadd.s32 @!p0 s11, s12;
	s11 =	simm.s32 @!p0 $0x60  }
0x46: {  	[tilespmem:s7], [sflag:s10] =	stream.indirect.gather @!p0 [hbm4b:s4+s11], $0x80, s9, s11, $0xb8;
	[tilespmem:$0x1D600] =	vst v63  }
0x47: {  	p0 =	sne.s32 s24, s0  }
.Ltmp0:
0x48: {  	_ = 	snop;
	(pc) =	sbr.rel @p0 .LBB2_2-.Ltmp0, $4  }
0x49: {  	_ = 	snop  }
0x4a: {  	s21 =	sadd.s32 $0x1, s21  }
0x4b: {  	s29 =	sadd.s32 $0x1, s29;
	s26 =	sadd.s32 $0x3000, s26;
	s31 =	sadd.s32 $0x1, s31  }
0x4c: {  	s16 =	sadd.s32 $0x20, s16;
	s28 =	sadd.s32 $0x100, s28;
	s30 =	sadd.s32 $0x3000, s30  }
0x4d: {  	s25 =	sadd.s32 $0x1, s25  }
0x4e: {  	p0 =	sne.s32 s25, s15  }
.Ltmp1:
0x4f: {  	[bflag:$0x0] =	sbarrier.arrive $0xFFFF;
	(pc) =	sbr.rel @p0 .LBB2_1-.Ltmp1, $4  }
0x50: {  	[hbm:s14], [sflag:s8] =	dma.local [spmem:s17], $0x2800  }
0x51: {  	_ =	swait.ge [sflag:s18], $0x2800  }
0x52: {  	[sflag:s18] =	ssyncset.done $0x0  }
0x53: {  	[sflag:s18] =	ssyncadd.s32 $0xFFFFD800  }
0x54: {  	_ =	sfence.sel $0x180000  }
0x55: {  	[bflag:$0x0] =	sbarrier.arrive $0xFFFF  }
0x56: {  	_ =	strace $0x9000004D  }
0x57: {  	s0 =	stileid.u32;
	[bflag:$0x2] =	sbarrier.arrive $0xFFFF  }
0x58: {  	p0 =	sne.s32 s0, $0x0;
	s0 =	rddreg [dreg:$0x3]  }
0x59: {  	s0 =	sadd.s32 @!p0 $0x100000, s0  }
0x5a: {  	[sflag:s0] =	ssyncadd.tile.s32 @!p0 $0x1;
	_ =	shalt  }
.Lfunc_end2:
_tile_overlayer_lowered:
.L_overlay_start_2:
0x5b: {  	(tag) =	ssettag $0x2  }
0x5c: {  	s0 =	rddreg [dreg:$0x0];
	s2 =	stileid.u32  }
0x5d: {  	s1 =	rddreg [dreg:$0x1];
	p0 =	sne.s32 s2, $0x0  }
0x5e: {  	s3 =	rddreg [dreg:$0x2];
	[bflag:$0x3] =	sbarrier.arrive $0xFFFF;
	s2 =	simm.s32 @!p0 $0x1C0A  }
0x5f: {  	[timem:s3], [sflag:s2] =	dma.local @!p0 [hbm:s0], s1  }
0x60: {  	s0 =	simm.s32 @!p0 $0xA  }
0x61: {  	_ =	swait.ge @!p0 [sflag:s0], s1  }
0x62: {  	s1 =	ssub.s32 @!p0 $0x0, s1;
	[sflag:s0] =	ssyncset.done @!p0 $0x0  }
0x63: {  	[sflag:s0] =	ssyncadd.s32 @!p0 s1  }
0x64: {  	[bflag:$0x3] =	sbarrier.arrive $0xFFFF  }
0x65: {  	_ =	shalt  }

// kernel: kernel.8.cloned.1.call-start
scs
__scs_entry_jumppad:
0x0: {  	(pc) =	sbr.rel $0x88, $3  }
0x1: {  	(tag) =	ssettag $0x0;
	lr =	simm.s32 $0x1  }
0x2: {  	[smem:$0x3F9B] =	sst lr;
	_ =	strace $0xD0000000  }
0x3: {  	_ = 	snop  }
0x4: {  	_ = 	snop  }
0x5: {  	_ = 	snop  }
0x6: {  	_ = 	snop  }
0x7: {  	_ = 	snop  }
__scs_overlays_trampoline_lowered:
0x8: {  	[smem:$0x3FAA] =	sst s0  }
0x9: {  	[smem:$0x3FAB] =	sst s1  }
0xa: {  	[smem:$0x3FAC] =	sst s2  }
0xb: {  	[smem:$0x3FAD] =	sst s3  }
0xc: {  	[smem:$0x3FAE] =	sst s4  }
0xd: {  	[smem:$0x3FAF] =	sst s5  }
0xe: {  	[smem:$0x3FB0] =	sst s6  }
0xf: {  	[smem:$0x3FB1] =	sst s7  }
0x10: {  	[smem:$0x3FB2] =	sst s8  }
0x11: {  	[smem:$0x3FB3] =	sst s9;
	s0 =	simm.s32 @!p0 $0x0  }
0x12: {  	s1 =	sld [smem:$0x3F99];
	s0 =	simm.s32 @p0 $0x1  }
0x13: {  	[smem:$0x3FB4] =	sst s0;
	s0 =	simm.s32 @!p1 $0x0  }
0x14: {  	s2 =	sld [smem:$0x3F98];
	s0 =	simm.s32 @p1 $0x1  }
0x15: {  	[smem:$0x3FB5] =	sst s0;
	s0 =	simm.s32 @!p2 $0x0  }
0x16: {  	s3 =	sld [smem:$0x3FDB];
	s0 =	simm.s32 @p2 $0x1  }
0x17: {  	s4 =	simm.s32 $0x1BF5;
	[smem:$0x3FB7] =	sst s0  }
0x18: {  	s0 =	sld [smem:$0x3F9A];
	_ =	swait.ge [sflag:s4], $0x0  }
0x19: {  	s7 =	sld [smem:$0x3F9B]  }
0x1a: {  	s8 =	sadd.s32 $0xFFFFE003, lr  }
0x1b: {  	s9 =	sadd.s32 $0xFFFFFEF7, lr;
	s5 =	simm.s32 $0xFFFFFFFF;
	p2 =	slt.u32 s8, $0xFFFFF086  }
0x1c: {  	p1 =	slt.u32 s9, $0xF7A;
	s5 =	simm.s32 @!p2 $0x0  }
0x1d: {  	s5 =	simm.s32 @p1 $0x1;
	p0 =	seq.s32 s7, s2  }
0x1e: {  	s7 =	smul.u32 @!p0 $0xF7A, s2;
	p2 =	seq.s32 @!p0 s5, $0x0  }
0x1f: {  	s9 =	smul.u32 $0xF7A, s1;
	s8 =	simm.s32 @!p0 $0x1BF5;
	p2 =	por !p2, p0  }
0x20: {  	[sflag:s8] =	ssyncset.s32 @!p0 $0xFFFFF086;
	s6 =	sadd.s32 @!p0 s3, s7;
	s7 =	simm.s32 @!p0 $0x108  }
0x21: {  	s3 =	sadd.s32 s3, s9;
	s6 =	sadd.s32 @!p0 $0x88, s6;
	s7 =	simm.s32 @p2 $0x1082  }
0x22: {  	[simem:s7], [sflag:s8] =	dma.local @!p0 [hbm:s6], $0xF7A  }
0x23: {  	s9 =	sor.u32 $0xD0000000, s2;
	s6 =	simm.s32 $0x108;
	_ =	swait.ge @!p0 [sflag:s8], $0x0  }
0x24: {  	s3 =	sadd.s32 $0x88, s3;
	s6 =	simm.s32 @!p1 $0x1082;
	[sflag:s4] =	ssyncset.s32 $0xFFFFF086  }
0x25: {  	[simem:s6], [sflag:s4] =	dma.local [hbm:s3], $0xF7A  }
0x26: {  	[smem:$0x3F9B] =	sst s1;
	(tag) =	ssettag s2;
	_ =	strace s9  }
0x27: {  	s1 =	sld [smem:$0x3FAB]  }
0x28: {  	s2 =	sld [smem:$0x3FAC]  }
0x29: {  	s4 =	sld [smem:$0x3FAE]  }
0x2a: {  	p0 =	seq.s32 s5, $0x0;
	s5 =	sld [smem:$0x3FAF]  }
0x2b: {  	s6 =	sld [smem:$0x3FB0]  }
0x2c: {  	s7 =	sld [smem:$0x3FB1]  }
0x2d: {  	s3 =	simm.s32 $0x108;
	s8 =	sld [smem:$0x3FB2]  }
0x2e: {  	s3 =	simm.s32 @!p0 $0x1082;
	s9 =	sld [smem:$0x3FB3]  }
0x2f: {  	lr =	sadd.s32 s0, s3;
	s0 =	sld [smem:$0x3FAA]  }
0x30: {  	s3 =	sld [smem:$0x3FAD]  }
0x31: {  	[smem:$0x3FB6] =	sst s10  }
0x32: {  	s10 =	sld [smem:$0x3FB4];
	_ =	sdelay $0x3  }
0x33: {  	p0 =	seq.s32 s10, $0x1;
	s10 =	sld [smem:$0x3FB6];
	_ =	sdelay $0x3  }
0x34: {  	[smem:$0x3FB6] =	sst s10  }
0x35: {  	s10 =	sld [smem:$0x3FB5];
	_ =	sdelay $0x3  }
0x36: {  	p1 =	seq.s32 s10, $0x1;
	s10 =	sld [smem:$0x3FB6];
	_ =	sdelay $0x3  }
0x37: {  	[smem:$0x3FB6] =	sst s10  }
0x38: {  	s10 =	sld [smem:$0x3FB7]  }
0x39: {  	_ = 	snop;
	(pc) =	sbr.ind lr, $3  }
0x3a: {  	_ = 	snop  }
0x3b: {  	_ = 	snop  }
0x3c: {  	p2 =	seq.s32 s10, $0x1;
	s10 =	sld [smem:$0x3FB6]  }
0x3d: {  	_ =	shalt  }
0x3e: {  	_ =	shalt  }
0x3f: {  	_ =	shalt  }
0x40: {  	_ =	shalt  }
0x41: {  	_ =	shalt  }
0x42: {  	_ =	shalt  }
0x43: {  	_ =	shalt  }
0x44: {  	_ =	shalt  }
0x45: {  	_ =	shalt  }
0x46: {  	_ =	shalt  }
0x47: {  	_ =	shalt  }
0x48: {  	_ =	shalt  }
0x49: {  	_ =	shalt  }
0x4a: {  	_ =	shalt  }
0x4b: {  	_ =	shalt  }
0x4c: {  	_ =	shalt  }
0x4d: {  	_ =	shalt  }
0x4e: {  	_ =	shalt  }
0x4f: {  	_ =	shalt  }
0x50: {  	_ =	shalt  }
0x51: {  	_ =	shalt  }
0x52: {  	_ =	shalt  }
0x53: {  	_ =	shalt  }
0x54: {  	_ =	shalt  }
0x55: {  	_ =	shalt  }
0x56: {  	_ =	shalt  }
0x57: {  	_ =	shalt  }
0x58: {  	_ =	shalt  }
0x59: {  	_ =	shalt  }
0x5a: {  	_ =	shalt  }
0x5b: {  	_ =	shalt  }
0x5c: {  	_ =	shalt  }
0x5d: {  	_ =	shalt  }
0x5e: {  	_ =	shalt  }
0x5f: {  	_ =	shalt  }
0x60: {  	_ =	shalt  }
0x61: {  	_ =	shalt  }
0x62: {  	_ =	shalt  }
0x63: {  	_ =	shalt  }
0x64: {  	_ =	shalt  }
0x65: {  	_ =	shalt  }
0x66: {  	_ =	shalt  }
0x67: {  	_ =	shalt  }
0x68: {  	_ =	shalt  }
0x69: {  	_ =	shalt  }
0x6a: {  	_ =	shalt  }
0x6b: {  	_ =	shalt  }
0x6c: {  	_ =	shalt  }
0x6d: {  	_ =	shalt  }
0x6e: {  	_ =	shalt  }
0x6f: {  	_ =	shalt  }
0x70: {  	_ =	shalt  }
0x71: {  	_ =	shalt  }
0x72: {  	_ =	shalt  }
0x73: {  	_ =	shalt  }
0x74: {  	_ =	shalt  }
0x75: {  	_ =	shalt  }
0x76: {  	_ =	shalt  }
0x77: {  	_ =	shalt  }
0x78: {  	_ =	shalt  }
0x79: {  	_ =	shalt  }
0x7a: {  	_ =	shalt  }
0x7b: {  	_ =	shalt  }
0x7c: {  	_ =	shalt  }
0x7d: {  	_ =	shalt  }
0x7e: {  	_ =	shalt  }
0x7f: {  	_ =	shalt  }
0x80: {  	_ =	shalt  }
0x81: {  	_ =	shalt  }
0x82: {  	_ =	shalt  }
0x83: {  	_ =	shalt  }
0x84: {  	_ =	shalt  }
0x85: {  	_ =	shalt  }
0x86: {  	_ =	shalt  }
0x87: {  	_ =	shalt  }
.Lfunc_end0:
.L_simem_size_0:
called_computation_lowered:
.L_overlay_start_0:
0x88: {  	s2 =	sld [smem:$0x3FD9]  }
0x89: {  	s3 =	sld [smem:$0x3FFE];
	_ =	sdelay $0x1  }
0x8a: {  	s1 =	srdreg.scid  }
0x8b: {  	s0 =	sand.u32 $0x1, s1  }
0x8c: {  	s16 =	sshll.u32 s0, $0xA;
	s2 =	sadd.s32 s3, s2  }
0x8d: {  	s2 =	sadd.s32 s2, s16  }
0x8e: {  	[smem:$0x3FC2] =	sst s2  }
0x8f: {  	_ = 	snop  }
0x90: {  	(tm) =	ssettm $0x1  }
0x91: {  	s17 =	sld [smem:$0x3FFB];
	_ =	sdelay $0x3  }
0x92: {  	_ =	strace s17  }
0x93: {  	s2 =	sld [smem:$0x3FFC];
	_ =	sdelay $0x3  }
0x94: {  	_ =	strace s2  }
0x95: {  	s2 =	sld [smem:$0x3FFD];
	_ =	sdelay $0x3  }
0x96: {  	_ =	strace s2  }
0x97: {  	_ =	strace $0x8FFFFFFF  }
0x98: {  	s18 =	sld [smem:$0x3FDB];
	_ =	sdelay $0x1  }
0x99: {  	s19 =	simm.s32 $_scs_section_size  }
0x9a: {  	s4 =	simm.s32 $_size__tile_overlayer_lowered;
	s5 =	simm.s32 $_tile_overlayer_lowered  }
0x9b: {  	s22 =	simm.s32 $0x1BFF;
	s21 =	sshll.u32 s5, $0x1;
	s2 =	sadd.s32 s19, s18  }
0x9c: {  	s6 =	simm.s32 $0x0;
	s20 =	sshll.u32 s4, $0x1;
	s4 =	sadd.s32 s21, s2  }
0x9d: {  	[timem:s6], [sflag:s22] =	dma.local [hbm:s4], s20  }
0x9e: {  	_ =	swait.ge [sflag:s22], s20  }
0x9f: {  	s3 =	ssub.s32 $0x0, s20;
	[sflag:s22] =	ssyncset.done $0x0  }
0xa0: {  	[sflag:s22] =	ssyncadd.s32 s3;
	_ =	sdelay $0x1  }
0xa1: {  	s23 =	simm.s32 $0x1B8B  }
0xa2: {  	_ =	swait.ge [sflag:s23], $0x1  }
0xa3: {  	[sflag:s23] =	ssyncset.done $0x0  }
0xa4: {  	s25 =	simm.s32 $0x1B8E;
	s24 =	sld [smem:$0x3FFE];
	[sflag:s23] =	ssyncadd.s32 $0xFFFFFFFF  }
0xa5: {  	s26 =	simm.s32 $execute0_lowered;
	[smem:$0x3FD2] =	sst s25  }
0xa6: {  	s4 =	sshll.u32 s26, $0x1;
	_ =	strace $0x80000046;
	[dreg:$0x1] =	wrdreg $0xFFFFFFFF  }
0xa7: {  	s28 =	simm.s32 $_size_execute0_lowered;
	s2 =	sadd.s32 s2, s4;
	[dreg:$0x0] =	wrdreg $0x0  }
0xa8: {  	s4 =	sshll.u32 s28, $0x1;
	[dreg:$0x2] =	wrdreg s2  }
0xa9: {  	[dreg:$0x3] =	wrdreg s4  }
0xaa: {  	[dreg:$0x4] =	wrdreg $0xC0  }
0xab: {  	_ =	task [dreg:s6], $0x5FFFF  }
0xac: {  	[dreg:$0x1] =	wrdreg $0xFFFFFFFF  }
0xad: {  	[dreg:$0x0] =	wrdreg $0x60  }
0xae: {  	[dreg:$0x2] =	wrdreg s24  }
0xaf: {  	[dreg:$0x3] =	wrdreg $0x68000  }
0xb0: {  	[dreg:$0x4] =	wrdreg $0x9  }
0xb1: {  	_ =	task.clear_ibuf [dreg:s6], $0x5FFFF;
	_ =	strace $0x90000046  }
0xb2: {  	s29 =	simm.s32 $0x9;
	_ =	strace $0x80000048  }
0xb3: {  	_ =	swait.ge [sflag:s29], $0x1  }
0xb4: {  	[sflag:s29] =	ssyncadd.s32 $0xFFFFFFFF  }
0xb5: {  	_ =	strace $0x90000048  }
0xb6: {  	_ =	sfence  }
0xb7: {  	s30 =	sld [smem:$0x0];
	_ =	sdelay $0x2  }
0xb8: {  	s31 =	sshll.u32 s1, $0xD;
	s1 =	sshrl.u32 s1, $0x2  }
0xb9: {  	s3 =	sand.u32 $0x4000, s31;
	s1 =	sadd.s32 s1, s30  }
0xba: {  	s0 =	sor.u32 s3, s0;
	s1 =	sshll.u32 s1, $0x11  }
0xbb: {  	s0 =	sor.u32 s1, s0  }
0xbc: {  	s0 =	sadd.s32 $0x8F2B, s0  }
0xbd: {  	[sflag:s0] =	ssyncadd.remote.s32 $0x1  }
0xbe: {  	_ =	sfence.sel $0xFFFF  }
0xbf: {  	[dreg:$0x0] =	wrdreg $0xFFFFFFFF;
	(pc) =	sbr.abs _section_cstart, $3  }
0xc0: {  	[dreg:$0x1] =	wrdreg $0xFFFFFFFF  }
0xc1: {  	_ =	task.clear_ibuf [dreg:s6], $0x2FFFF;
	_ =	strace $0x9FFFFFFF  }
0xc2: {  	(tm) =	ssettm $0x7FFFFFFF  }
0xc3: {  	_ =	shalt  }
tec
execute0_lowered:
.L_overlay_start_1:
0x0: {  	(tag) =	ssettag $0x1  }
0x1: {  	s0 =	srdreg.scid;
	s6 =	rddreg [dreg:$0x0]  }
0x2: {  	s2 =	rddreg [dreg:$0x1];
	s5 =	sand.u32 $0x1, s0;
	s0 =	stileid.u32  }
0x3: {  	s3 =	simm.s32 $0x0;
	s13 =	simm.s32 $0x80;
	s7 =	smul.u32 $0x14000, s0  }
0x4: {  	s14 =	simm.s32 $0x0;
	[smem:$0x7FF] =	sst s3;
	s8 =	smul.u32 $0x140000, s5  }
0x5: {  	s1 =	sshll.u32 s5, $0x4;
	s5 =	ssub.s32 $0x2, s5;
	s29 =	smul.u32 $0x50000, s0  }
0x6: {  	s31 =	sshll.u32 s0, $0x6;
	s4 =	sor.u32 s0, s1;
	s1 =	rddreg [dreg:$0x2]  }
0x7: {  	_ =	strace $0x80000047;
	s11 =	sshrl.u32 s5, $0x1;
	s4 =	smul.u32 $0x500, s4  }
0x8: {  	s10 =	sshrl.u32 s7, $0x3;
	s7 =	sadd.s32 s7, s8;
	s11 =	ssub.s32 s5, s11  }
0x9: {  	s30 =	sshrl.u32 s29, $0x2;
	s10 =	sadd.s32 s10, s6;
	s7 =	sshrl.u32 s7, $0x3  }
0xa: {  	s12 =	sadd.s32 s30, s2;
	s8 =	smax.u32 s11, $0x1;
	s11 =	sor.u32 $0x1C01, s31  }
0xb: {  	s9 =	sadd.s32 s4, s6;
	s4 =	sadd.s32 $0xBC00, s6;
	s7 =	sadd.s32 s7, s6  }
0xc: {  	s6 =	sadd.s32 $0xC400, s10;
	s10 =	simm.s32 $0x2800;
	s12 =	sshrl.u32 s12, $0x3  }
0xd: {  	s5 =	sadd.s32 $0x1C00, s9;
	s7 =	sadd.s32 $0x34400, s7;
	s9 =	simm.s32 $0x1  }
.LBB2_1:
0xe: {  	[tilespmem:s3], [sflag:$0x1] =	stream.linear.gather [hbm4b:s5+s3], $0x2780, $0x38;
	[tilespmem:$0x1A800] =	vst v63  }
0xf: {  	_ =	swait.ge [sflag:s9], $0x2780  }
0x10: {  	[sflag:s9] =	ssyncset.done $0x0  }
0x11: {  	[sflag:s9] =	ssyncadd.s32 $0xFFFFD880  }
0x12: {  	[tilespmem:s10], [sflag:$0x1] =	stream.linear.gather [hbm4b:s4+s3], $0x4000, $0x38;
	[tilespmem:$0x1A800] =	vst v63  }
0x13: {  	_ =	swait.ge [sflag:s9], $0x4000  }
0x14: {  	[sflag:s9] =	ssyncset.done $0x0  }
0x15: {  	[sflag:s9] =	ssyncadd.s32 $0xFFFFC000  }
0x16: {  	[spmem:s12], [sflag:s11] =	dma.local [hbm:s6], $0x2800  }
0x17: {  	_ =	swait.ge [sflag:s9], $0x2800  }
0x18: {  	[sflag:s9] =	ssyncset.done $0x0  }
0x19: {  	[sflag:s9] =	ssyncadd.s32 $0xFFFFD800  }
0x1a: {  	s15 =	simm.s32 $0x0;
	[bflag:$0x0] =	sbarrier.arrive $0xFFFF  }
0x1b: {  	[spmem:s2] =	stream.indirect.scatter.add.f32 [tilespmem:s10], [sflag:$0x1], $0x80, s15, s13, $0xb8;
	[tilespmem:$0x1A800] =	vst v63  }
0x1c: {  	_ =	swait.ge [sflag:s9], $0x4000  }
0x1d: {  	s15 =	simm.s32 $0x200;
	[sflag:s9] =	ssyncset.done $0x0  }
.LBB2_2:
0x1e: {  	s16 =	sshra.s32 s15, $0x2;
	[sflag:s9] =	ssyncadd.s32 $0xFFFFC000;
	p0 =	sne.s32 s15, $0x9C00  }
0x1f: {  	[spmem:s2] =	stream.indirect.scatter.add.f32 [tilespmem:s10], [sflag:$0x1], $0x80, s16, s13, $0xb8;
	[tilespmem:$0x1A800] =	vst v63  }
.Ltmp0:
0x20: {  	_ = 	snop;
	(pc) =	sbr.rel @p0 .LBB2_2-.Ltmp0, $4  }
0x21: {  	_ = 	snop  }
0x22: {  	s15 =	sadd.s32 $0x200, s15  }
0x23: {  	_ =	swait.ge [sflag:s9], $0x4000  }
0x24: {  	[sflag:s9] =	ssyncset.done $0x0  }
0x25: {  	s14 =	sadd.s32 $0x1, s14  }
0x26: {  	[sflag:s9] =	ssyncadd.s32 $0xFFFFC000;
	p0 =	sne.s32 s14, s8  }
.Ltmp1:
0x27: {  	[bflag:$0x0] =	sbarrier.arrive $0xFFFF;
	(pc) =	sbr.rel @p0 .LBB2_1-.Ltmp1, $4  }
0x28: {  	[hbm:s7], [sflag:s11] =	dma.local [spmem:s12], $0x2800  }
0x29: {  	_ =	swait.ge [sflag:s9], $0x2800  }
0x2a: {  	[sflag:s9] =	ssyncset.done $0x0  }
0x2b: {  	[sflag:s9] =	ssyncadd.s32 $0xFFFFD800  }
0x2c: {  	_ =	sfence.sel $0x180000  }
0x2d: {  	[bflag:$0x0] =	sbarrier.arrive $0xFFFF  }
0x2e: {  	p0 =	sne.s32 s0, $0x0;
	_ =	strace $0x90000047  }
0x2f: {  	s0 =	sadd.s32 @!p0 $0x100000, s1;
	[bflag:$0x2] =	sbarrier.arrive $0xFFFF  }
0x30: {  	[sflag:s0] =	ssyncadd.tile.s32 @!p0 $0x1;
	_ =	shalt  }
.Lfunc_end2:
_tile_overlayer_lowered:
.L_overlay_start_2:
0x31: {  	(tag) =	ssettag $0x2  }
0x32: {  	s0 =	rddreg [dreg:$0x0];
	s2 =	stileid.u32  }
0x33: {  	s1 =	rddreg [dreg:$0x1];
	p0 =	sne.s32 s2, $0x0  }
0x34: {  	s3 =	rddreg [dreg:$0x2];
	[bflag:$0x3] =	sbarrier.arrive $0xFFFF;
	s2 =	simm.s32 @!p0 $0x1C01  }
0x35: {  	[timem:s3], [sflag:s2] =	dma.local @!p0 [hbm:s0], s1  }
0x36: {  	s0 =	simm.s32 @!p0 $0x1  }
0x37: {  	_ =	swait.ge @!p0 [sflag:s0], s1  }
0x38: {  	s1 =	ssub.s32 @!p0 $0x0, s1;
	[sflag:s0] =	ssyncset.done @!p0 $0x0  }
0x39: {  	[sflag:s0] =	ssyncadd.s32 @!p0 s1  }
0x3a: {  	[bflag:$0x3] =	sbarrier.arrive $0xFFFF  }
0x3b: {  	_ =	shalt  }

</sc_bundles>
